<compile_context>
chip_gen: v7x
topology: tpu7x:2x2x1
jax: 0.10.2.dev20260603
libtpu: 0.0.44.dev20260713+nightly
codegen_flags: <defaults>
</compile_context>

<pallas_src>
import numpy as np
import jax
import jax.numpy as jnp
from jax.experimental import pallas as pl

_S_L = [1024, 512, 128, 16]
_R2_L = [np.float32(0.1 ** 2), np.float32(0.2 ** 2),
         np.float32(0.4 ** 2), np.float32(0.8 ** 2)]


def _mm(a, w):
    def kern(a_ref, w_ref, o_ref):
        o_ref[...] = jax.lax.dot_general(
            a_ref[...].astype(jnp.bfloat16), w_ref[...].astype(jnp.bfloat16),
            (((1,), (0,)), ((), ())), preferred_element_type=jnp.float32)
    return pl.pallas_call(
        kern,
        out_shape=jax.ShapeDtypeStruct((a.shape[0], w.shape[1]), jnp.float32),
    )(a, w)


def _mm_tiled(a, w, tile):
    M, K = a.shape
    N = w.shape[1]
    def kern(a_ref, w_ref, o_ref):
        o_ref[...] = jax.lax.dot_general(
            a_ref[...].astype(jnp.bfloat16), w_ref[...].astype(jnp.bfloat16),
            (((1,), (0,)), ((), ())), preferred_element_type=jnp.float32)
    return pl.pallas_call(
        kern,
        grid=(N // tile,),
        in_specs=[pl.BlockSpec((M, K), lambda i: (0, 0)),
                  pl.BlockSpec((K, tile), lambda i: (0, i))],
        out_specs=pl.BlockSpec((M, tile), lambda i: (0, i)),
        out_shape=jax.ShapeDtypeStruct((M, N), jnp.float32),
    )(a, w)


def _bmm(a, b):
    B, S, K = a.shape
    N = b.shape[2]
    def kern(a_ref, b_ref, o_ref):
        o_ref[0] = jax.lax.dot_general(
            a_ref[0].astype(jnp.bfloat16), b_ref[0].astype(jnp.bfloat16),
            (((1,), (0,)), ((), ())), preferred_element_type=jnp.float32)
    return pl.pallas_call(
        kern,
        grid=(B,),
        in_specs=[pl.BlockSpec((1, S, K), lambda i: (i, 0, 0)),
                  pl.BlockSpec((1, K, N), lambda i: (i, 0, 0))],
        out_specs=pl.BlockSpec((1, S, N), lambda i: (i, 0, 0)),
        out_shape=jax.ShapeDtypeStruct((B, S, N), jnp.float32),
    )(a, b)


def _index_points(points, idx):
    B = points.shape[0]
    batch = jnp.arange(B).reshape((B,) + (1,) * (idx.ndim - 1))
    return points[batch, idx]


def _synth_indices(xyz):
    B = xyz.shape[0]
    dd = jnp.sum((xyz - xyz[:, 0:1, :]) ** 2, -1)
    a_idx = jnp.where(dd[:, 1] >= dd[:, 2], 1, 2).astype(jnp.int32)
    b_idx = (3 - a_idx).astype(jnp.int32)

    idxs = []
    cur = xyz
    for l, S in enumerate(_S_L):
        pos = jnp.arange(S, dtype=jnp.int32)[None, :]
        patt = jnp.where(pos == 1, a_idx[:, None],
                         jnp.where(pos == 2, b_idx[:, None],
                                   jnp.zeros((B, 1), jnp.int32)))
        new = jnp.take_along_axis(xyz, patt[:, :, None], axis=1)
        N = cur.shape[1]
        s_new = jnp.sum(new ** 2, -1)
        s_cur = jnp.sum(cur ** 2, -1)
        d = _bmm(new, jnp.transpose(cur, (0, 2, 1)))
        sq3 = s_new[:, :3, None] + s_cur[:, None, :] - 2.0 * d[:, :3, :]
        inb = jnp.sum((sq3 <= _R2_L[l]).astype(jnp.int32), axis=-1) > 0

        K = 3 if l == 0 else 32
        if l == 0:
            g0 = jnp.zeros((K,), jnp.int32)
            g1 = jnp.broadcast_to(a_idx[:, None], (B, K))
            g2 = jnp.broadcast_to(b_idx[:, None], (B, K))
        else:
            g0 = jnp.asarray(np.array([0] + list(range(3, 34)), np.int32))
            g1 = jnp.broadcast_to(jnp.int32(1), (B, K))
            g2 = jnp.broadcast_to(jnp.int32(2), (B, K))
        gout = jnp.full((K,), N, jnp.int32)
        sel0 = jnp.where(inb[:, 0:1], g0[None, :], gout[None, :])
        sel1 = jnp.where(inb[:, 1:2], g1 if l == 0 else g1, gout[None, :])
        sel2 = jnp.where(inb[:, 2:3], g2 if l == 0 else g2, gout[None, :])
        ball = jnp.where(pos[:, :, None] == 1, sel1[:, None, :],
                         jnp.where(pos[:, :, None] == 2, sel2[:, None, :],
                                   sel0[:, None, :]))
        if l == 0:
            fps = patt
        else:
            fps = jnp.broadcast_to(jnp.minimum(pos, 2) * (pos < 3), (B, S))
        idxs.append((fps.astype(jnp.int32), ball))
        cur = new
    return idxs


def _mlp_bn_relu(feat, layers):
    for (W, b, g, be) in layers:
        feat = jnp.einsum('oi,biks->boks', W, feat) + b[None, :, None, None]
        mean = jnp.mean(feat, axis=(0, 2, 3), keepdims=True)
        var = jnp.var(feat, axis=(0, 2, 3), keepdims=True)
        feat = g[None, :, None, None] * (feat - mean) * jax.lax.rsqrt(
            var + 1e-5) + be[None, :, None, None]
        feat = jax.nn.relu(feat)
    return feat


def kernel(xyz, params):
    bs = xyz.shape[0]
    idxs = _synth_indices(xyz)
    pts = jnp.transpose(xyz, (0, 2, 1))
    cur_xyz = pts
    cur_points = pts
    for name, (fps_idx, ball_idx) in zip(['sa1', 'sa2', 'sa3', 'sa4'], idxs):
        new_xyz = _index_points(cur_xyz, fps_idx)
        grouped_xyz = _index_points(cur_xyz, ball_idx)
        grouped_norm = grouped_xyz - new_xyz[:, :, None, :]
        grouped_points = _index_points(cur_points, ball_idx)
        new_points = jnp.concatenate([grouped_norm, grouped_points], axis=-1)
        feat = jnp.transpose(new_points, (0, 3, 2, 1))
        feat = _mlp_bn_relu(feat, params[name])
        cur_points = jnp.transpose(jnp.max(feat, axis=2), (0, 2, 1))
        cur_xyz = new_xyz
    new_points = jnp.concatenate(
        [cur_xyz[:, None, :, :], cur_points[:, None, :, :]], axis=-1)
    feat = jnp.transpose(new_points, (0, 3, 2, 1))
    feat = _mlp_bn_relu(feat, params['sa5'])
    x = jnp.max(feat, axis=2)[..., 0]

    for i, name in enumerate(['conv1_1', 'conv1_2', 'conv1_3', 'conv1_4']):
        W, b = params[name]
        if name == 'conv1_4':
            x = _mm_tiled(x, jnp.transpose(W), 512) + b[None, :]
        else:
            x = _mm(x, jnp.transpose(W)) + b[None, :]
        if i < 3:
            x = jax.nn.relu(x)
    return x.reshape(bs, 2048, 3)

# --- scband reference (transcript-rebuilt; emitter-appended) ---
"""Pipeline reference for scband-shape-net-pnet2-encoder-44839458570447 (READ-ONLY COPY).

The authoritative reference and input builder live on the scoring server;
editing this copy changes nothing except your own understanding.
"""

import jax, jax.numpy as jnp
import numpy as np

def index_points(points, idx):
    B = points.shape[0]
    batch = jnp.arange(B).reshape((B,) + (1,) * (idx.ndim - 1))
    return points[batch, idx]

def square_distance(src, dst):
    return jnp.sum(src ** 2, -1)[:, :, None] + jnp.sum(dst ** 2, -1)[:, None, :] - 2.0 * jnp.matmul(src, jnp.transpose(dst, (0, 2, 1)))

def farthest_point_sample(xyz, npoint):
    B, N, _ = xyz.shape
    def body(i, state):
        centroids, distance, farthest = state
        centroids = centroids.at[:, i].set(farthest)
        centroid = index_points(xyz, farthest[:, None])
        dist = jnp.sum((xyz - centroid) ** 2, -1)
        distance = jnp.minimum(distance, dist)
        farthest = jnp.argmax(distance, axis=-1).astype(jnp.int32)
        return (centroids, distance, farthest)
    state = (jnp.zeros((B, npoint), jnp.int32), jnp.full((B, N), 1e10, jnp.float32), jnp.zeros((B,), jnp.int32))
    centroids, _, _ = jax.lax.fori_loop(0, npoint, body, state)
    return centroids

def query_ball_point(radius, nsample, xyz, new_xyz):
    B, N, _ = xyz.shape
    S = new_xyz.shape[1]
    group_idx = jnp.broadcast_to(jnp.arange(N, dtype=jnp.int32), (B, S, N))
    sqrdists = square_distance(new_xyz, xyz)
    group_idx = jnp.where(sqrdists > radius ** 2, N, group_idx)
    group_idx = jnp.sort(group_idx, axis=-1)[:, :, :nsample]
    group_first = jnp.broadcast_to(group_idx[:, :, 0:1], group_idx.shape)
    group_idx = jnp.where(group_idx == N, group_first, group_idx)
    return group_idx

SA_SPECS = [(1024, 0.1, 32), (512, 0.2, 32), (128, 0.4, 32), (16, 0.8, 32)]

def compute_indices(xyz_bn3):
    idxs = []
    cur = xyz_bn3
    for (npoint, radius, nsample) in SA_SPECS:
        fps_idx = farthest_point_sample(cur, npoint)
        new_xyz = index_points(cur, fps_idx)
        ball_idx = query_ball_point(radius, nsample, cur, new_xyz)
        idxs.append((fps_idx, ball_idx))
        cur = new_xyz
    return idxs

def mlp_bn_relu(feat, layers):
    for (W, b, g, be) in layers:
        feat = jnp.einsum('oi,biks->boks', W, feat) + b[None, :, None, None]
        mean = jnp.mean(feat, axis=(0, 2, 3), keepdims=True)
        var = jnp.var(feat, axis=(0, 2, 3), keepdims=True)
        feat = g[None, :, None, None] * (feat - mean) * jax.lax.rsqrt(var + 1e-5) + be[None, :, None, None]
        feat = jax.nn.relu(feat)
    return feat

def forward_with_indices(xyz, params, idxs):
    bs = xyz.shape[0]
    pts = jnp.transpose(xyz, (0, 2, 1))
    cur_xyz = pts
    cur_points = pts
    for name, (fps_idx, ball_idx) in zip(['sa1', 'sa2', 'sa3', 'sa4'], idxs):
        new_xyz = index_points(cur_xyz, fps_idx)
        grouped_xyz = index_points(cur_xyz, ball_idx)
        grouped_norm = grouped_xyz - new_xyz[:, :, None, :]
        grouped_points = index_points(cur_points, ball_idx)
        new_points = jnp.concatenate([grouped_norm, grouped_points], axis=-1)
        feat = jnp.transpose(new_points, (0, 3, 2, 1))
        feat = mlp_bn_relu(feat, params[name])
        cur_points = jnp.transpose(jnp.max(feat, axis=2), (0, 2, 1))
        cur_xyz = new_xyz
    new_points = jnp.concatenate([cur_xyz[:, None, :, :], cur_points[:, None, :, :]], axis=-1)
    feat = jnp.transpose(new_points, (0, 3, 2, 1))
    feat = mlp_bn_relu(feat, params['sa5'])
    x = jnp.max(feat, axis=2)
    for i, name in enumerate(['conv1_1', 'conv1_2', 'conv1_3', 'conv1_4']):
        W, b = params[name]
        x = jnp.einsum('oi,bil->bol', W, x) + b[None, :, None]
        if i < 3:
            x = jax.nn.relu(x)
    return x.reshape(bs, 2048, 3)

def _make_mlp(key, cin, couts):
    layers = []
    for cout in couts:
        key, k1 = jax.random.split(key)
        W = jax.random.normal(k1, (cout, cin), jnp.float32) / np.sqrt(cin)
        layers.append((W, jnp.zeros((cout,), jnp.float32), jnp.ones((cout,), jnp.float32), jnp.zeros((cout,), jnp.float32)))
        cin = cout
    return layers

def setup_inputs(seed: int = 0):
    key = jax.random.key(seed)
    ks = jax.random.split(key, 12)
    xyz = jax.random.normal(ks[0], (8, 3, 2048), jnp.float32)
    params = {
        'sa1': _make_mlp(ks[1], 6, [32, 32, 64]),
        'sa2': _make_mlp(ks[2], 67, [64, 64, 128]),
        'sa3': _make_mlp(ks[3], 131, [128, 128, 256]),
        'sa4': _make_mlp(ks[4], 259, [256, 256, 512]),
        'sa5': _make_mlp(ks[5], 515, [512, 512, 1024]),
        'conv1_1': (jax.random.normal(ks[6], (1024, 1024), jnp.float32) / 32.0, jnp.zeros((1024,), jnp.float32)),
        'conv1_2': (jax.random.normal(ks[7], (1024, 1024), jnp.float32) / 32.0, jnp.zeros((1024,), jnp.float32)),
        'conv1_3': (jax.random.normal(ks[8], (6144, 1024), jnp.float32) / 32.0, jnp.zeros((6144,), jnp.float32)),
        'conv1_4': (jax.random.normal(ks[9], (6144, 6144), jnp.float32) / np.sqrt(6144.0), jnp.zeros((6144,), jnp.float32)),
    }
    return {'xyz': xyz, 'params': params}

def reference(xyz, params):
    idxs = compute_indices(xyz)
    return forward_with_indices(xyz, params, idxs)

if __name__ == "__main__":
    import jax
    _d = setup_inputs()
    print(jax.jit(kernel)(*tuple(_d.values())))

</pallas_src>

<mosaic_0001>
module attributes {stable_mosaic.version = 14 : i64} {
  func.func @kern(%arg0: i32, %arg1: memref<1x1024x2048xf32, #tpu.memory_space<vmem>>, %arg2: memref<1x2048x3xf32, #tpu.memory_space<vmem>>, %arg3: memref<1x1024x3xf32, #tpu.memory_space<vmem>>) attributes {dimension_semantics = [#tpu.dimension_semantics<arbitrary>], iteration_bounds = array<i64: 8>, scalar_prefetch = 0 : i64, scratch_operands = 0 : i64, tpu.core_type = #tpu.core_type<tc>, window_params = [{transform_indices = @transform_0, window_bounds = array<i64: 1, 1024, 2048>}, {transform_indices = @transform_1, window_bounds = array<i64: 1, 2048, 3>}, {transform_indices = @transform_2, window_bounds = array<i64: 1, 1024, 3>}]} {
    %get3A = arith.constant 0 : index
    %get3A_0 = arith.constant 0 : index
    %get3A_1 = arith.constant 0 : index
    %get3A_2 = vector.load %arg1[%get3A, %get3A_0, %get3A_1] : memref<1x1024x2048xf32, #tpu.memory_space<vmem>>, vector<1x1024x2048xf32>
    %get3A_3 = vector.shape_cast %get3A_2 : vector<1x1024x2048xf32> to vector<1024x2048xf32>
    %convert_element_type3A = arith.truncf %get3A_3 : vector<1024x2048xf32> to vector<1024x2048xbf16>
    %get3A_4 = arith.constant 0 : index
    %get3A_5 = arith.constant 0 : index
    %get3A_6 = arith.constant 0 : index
    %get3A_7 = vector.load %arg2[%get3A_4, %get3A_5, %get3A_6] : memref<1x2048x3xf32, #tpu.memory_space<vmem>>, vector<1x2048x3xf32>
    %get3A_8 = vector.shape_cast %get3A_7 : vector<1x2048x3xf32> to vector<2048x3xf32>
    %convert_element_type3A_9 = arith.truncf %get3A_8 : vector<2048x3xf32> to vector<2048x3xbf16>
    %dot_general3A = arith.constant dense<0.000000e+00> : vector<1024x3xf32>
    %dot_general3A_10 = tpu.matmul %convert_element_type3A, %convert_element_type3A_9, %dot_general3A {dimension_numbers = #tpu.dot_dimension_numbers<[1], [0], [0], [1], [0, 0, 1, 1], [], []>, transpose_lhs_hint = false} : vector<1024x2048xbf16>, vector<2048x3xbf16>, vector<1024x3xf32> -> vector<1024x3xf32>
    %swap3A = arith.constant 0 : index
    %swap3A_11 = arith.constant 0 : index
    %swap3A_12 = arith.constant 0 : index
    %swap3A_13 = vector.load %arg3[%swap3A, %swap3A_11, %swap3A_12] : memref<1x1024x3xf32, #tpu.memory_space<vmem>>, vector<1x1024x3xf32>
    %swap3A_14 = vector.shape_cast %swap3A_13 : vector<1x1024x3xf32> to vector<1024x3xf32>
    %swap3A_15 = vector.shape_cast %dot_general3A_10 : vector<1024x3xf32> to vector<1x1024x3xf32>
    tpu.vector_store %arg3[%swap3A, %swap3A_11, %swap3A_12], %swap3A_15 {strides = array<i32>} : memref<1x1024x3xf32, #tpu.memory_space<vmem>>, vector<1x1024x3xf32>,
    return
  }
  func.func @transform_0(%arg0: i32) -> (i32, i32, i32) {
    %c0_i32 = arith.constant 0 : i32
    %c0_i32_0 = arith.constant 0 : i32
    %c0_i32_1 = arith.constant 0 : i32
    return %arg0, %c0_i32, %c0_i32_0 : i32, i32, i32
  }
  func.func @transform_1(%arg0: i32) -> (i32, i32, i32) {
    %c0_i32 = arith.constant 0 : i32
    %c0_i32_0 = arith.constant 0 : i32
    %c0_i32_1 = arith.constant 0 : i32
    return %arg0, %c0_i32, %c0_i32_0 : i32, i32, i32
  }
  func.func @transform_2(%arg0: i32) -> (i32, i32, i32) {
    %c0_i32 = arith.constant 0 : i32
    %c0_i32_0 = arith.constant 0 : i32
    %c0_i32_1 = arith.constant 0 : i32
    return %arg0, %c0_i32, %c0_i32_0 : i32, i32, i32
  }
}

module attributes {stable_mosaic.version = 14 : i64} {
  func.func @kern(%arg0: i32, %arg1: memref<1x512x2048xf32, #tpu.memory_space<vmem>>, %arg2: memref<1x2048x1024xf32, #tpu.memory_space<vmem>>, %arg3: memref<1x512x1024xf32, #tpu.memory_space<vmem>>) attributes {dimension_semantics = [#tpu.dimension_semantics<arbitrary>], iteration_bounds = array<i64: 8>, scalar_prefetch = 0 : i64, scratch_operands = 0 : i64, tpu.core_type = #tpu.core_type<tc>, window_params = [{transform_indices = @transform_0, window_bounds = array<i64: 1, 512, 2048>}, {transform_indices = @transform_1, window_bounds = array<i64: 1, 2048, 1024>}, {transform_indices = @transform_2, window_bounds = array<i64: 1, 512, 1024>}]} {
    %get3A = arith.constant 0 : index
    %get3A_0 = arith.constant 0 : index
    %get3A_1 = arith.constant 0 : index
    %get3A_2 = vector.load %arg1[%get3A, %get3A_0, %get3A_1] : memref<1x512x2048xf32, #tpu.memory_space<vmem>>, vector<1x512x2048xf32>
    %get3A_3 = vector.shape_cast %get3A_2 : vector<1x512x2048xf32> to vector<512x2048xf32>
    %convert_element_type3A = arith.truncf %get3A_3 : vector<512x2048xf32> to vector<512x2048xbf16>
    %get3A_4 = arith.constant 0 : index
    %get3A_5 = arith.constant 0 : index
    %get3A_6 = arith.constant 0 : index
    %get3A_7 = vector.load %arg2[%get3A_4, %get3A_5, %get3A_6] : memref<1x2048x1024xf32, #tpu.memory_space<vmem>>, vector<1x2048x1024xf32>
    %get3A_8 = vector.shape_cast %get3A_7 : vector<1x2048x1024xf32> to vector<2048x1024xf32>
    %convert_element_type3A_9 = arith.truncf %get3A_8 : vector<2048x1024xf32> to vector<2048x1024xbf16>
    %dot_general3A = arith.constant dense<0.000000e+00> : vector<512x1024xf32>
    %dot_general3A_10 = tpu.matmul %convert_element_type3A, %convert_element_type3A_9, %dot_general3A {dimension_numbers = #tpu.dot_dimension_numbers<[1], [0], [0], [1], [0, 0, 1, 1], [], []>, transpose_lhs_hint = false} : vector<512x2048xbf16>, vector<2048x1024xbf16>, vector<512x1024xf32> -> vector<512x1024xf32>
    %swap3A = arith.constant 0 : index
    %swap3A_11 = arith.constant 0 : index
    %swap3A_12 = arith.constant 0 : index
    %swap3A_13 = vector.load %arg3[%swap3A, %swap3A_11, %swap3A_12] : memref<1x512x1024xf32, #tpu.memory_space<vmem>>, vector<1x512x1024xf32>
    %swap3A_14 = vector.shape_cast %swap3A_13 : vector<1x512x1024xf32> to vector<512x1024xf32>
    %swap3A_15 = vector.shape_cast %dot_general3A_10 : vector<512x1024xf32> to vector<1x512x1024xf32>
    tpu.vector_store %arg3[%swap3A, %swap3A_11, %swap3A_12], %swap3A_15 {strides = array<i32>} : memref<1x512x1024xf32, #tpu.memory_space<vmem>>, vector<1x512x1024xf32>,
    return
  }
  func.func @transform_0(%arg0: i32) -> (i32, i32, i32) {
    %c0_i32 = arith.constant 0 : i32
    %c0_i32_0 = arith.constant 0 : i32
    %c0_i32_1 = arith.constant 0 : i32
    return %arg0, %c0_i32, %c0_i32_0 : i32, i32, i32
  }
  func.func @transform_1(%arg0: i32) -> (i32, i32, i32) {
    %c0_i32 = arith.constant 0 : i32
    %c0_i32_0 = arith.constant 0 : i32
    %c0_i32_1 = arith.constant 0 : i32
    return %arg0, %c0_i32, %c0_i32_0 : i32, i32, i32
  }
  func.func @transform_2(%arg0: i32) -> (i32, i32, i32) {
    %c0_i32 = arith.constant 0 : i32
    %c0_i32_0 = arith.constant 0 : i32
    %c0_i32_1 = arith.constant 0 : i32
    return %arg0, %c0_i32, %c0_i32_0 : i32, i32, i32
  }
}

module attributes {stable_mosaic.version = 14 : i64} {
  func.func @kern(%arg0: i32, %arg1: memref<1x128x2048xf32, #tpu.memory_space<vmem>>, %arg2: memref<1x2048x512xf32, #tpu.memory_space<vmem>>, %arg3: memref<1x128x512xf32, #tpu.memory_space<vmem>>) attributes {dimension_semantics = [#tpu.dimension_semantics<arbitrary>], iteration_bounds = array<i64: 8>, scalar_prefetch = 0 : i64, scratch_operands = 0 : i64, tpu.core_type = #tpu.core_type<tc>, window_params = [{transform_indices = @transform_0, window_bounds = array<i64: 1, 128, 2048>}, {transform_indices = @transform_1, window_bounds = array<i64: 1, 2048, 512>}, {transform_indices = @transform_2, window_bounds = array<i64: 1, 128, 512>}]} {
    %get3A = arith.constant 0 : index
    %get3A_0 = arith.constant 0 : index
    %get3A_1 = arith.constant 0 : index
    %get3A_2 = vector.load %arg1[%get3A, %get3A_0, %get3A_1] : memref<1x128x2048xf32, #tpu.memory_space<vmem>>, vector<1x128x2048xf32>
    %get3A_3 = vector.shape_cast %get3A_2 : vector<1x128x2048xf32> to vector<128x2048xf32>
    %convert_element_type3A = arith.truncf %get3A_3 : vector<128x2048xf32> to vector<128x2048xbf16>
    %get3A_4 = arith.constant 0 : index
    %get3A_5 = arith.constant 0 : index
    %get3A_6 = arith.constant 0 : index
    %get3A_7 = vector.load %arg2[%get3A_4, %get3A_5, %get3A_6] : memref<1x2048x512xf32, #tpu.memory_space<vmem>>, vector<1x2048x512xf32>
    %get3A_8 = vector.shape_cast %get3A_7 : vector<1x2048x512xf32> to vector<2048x512xf32>
    %convert_element_type3A_9 = arith.truncf %get3A_8 : vector<2048x512xf32> to vector<2048x512xbf16>
    %dot_general3A = arith.constant dense<0.000000e+00> : vector<128x512xf32>
    %dot_general3A_10 = tpu.matmul %convert_element_type3A, %convert_element_type3A_9, %dot_general3A {dimension_numbers = #tpu.dot_dimension_numbers<[1], [0], [0], [1], [0, 0, 1, 1], [], []>, transpose_lhs_hint = false} : vector<128x2048xbf16>, vector<2048x512xbf16>, vector<128x512xf32> -> vector<128x512xf32>
    %swap3A = arith.constant 0 : index
    %swap3A_11 = arith.constant 0 : index
    %swap3A_12 = arith.constant 0 : index
    %swap3A_13 = vector.load %arg3[%swap3A, %swap3A_11, %swap3A_12] : memref<1x128x512xf32, #tpu.memory_space<vmem>>, vector<1x128x512xf32>
    %swap3A_14 = vector.shape_cast %swap3A_13 : vector<1x128x512xf32> to vector<128x512xf32>
    %swap3A_15 = vector.shape_cast %dot_general3A_10 : vector<128x512xf32> to vector<1x128x512xf32>
    tpu.vector_store %arg3[%swap3A, %swap3A_11, %swap3A_12], %swap3A_15 {strides = array<i32>} : memref<1x128x512xf32, #tpu.memory_space<vmem>>, vector<1x128x512xf32>,
    return
  }
  func.func @transform_0(%arg0: i32) -> (i32, i32, i32) {
    %c0_i32 = arith.constant 0 : i32
    %c0_i32_0 = arith.constant 0 : i32
    %c0_i32_1 = arith.constant 0 : i32
    return %arg0, %c0_i32, %c0_i32_0 : i32, i32, i32
  }
  func.func @transform_1(%arg0: i32) -> (i32, i32, i32) {
    %c0_i32 = arith.constant 0 : i32
    %c0_i32_0 = arith.constant 0 : i32
    %c0_i32_1 = arith.constant 0 : i32
    return %arg0, %c0_i32, %c0_i32_0 : i32, i32, i32
  }
  func.func @transform_2(%arg0: i32) -> (i32, i32, i32) {
    %c0_i32 = arith.constant 0 : i32
    %c0_i32_0 = arith.constant 0 : i32
    %c0_i32_1 = arith.constant 0 : i32
    return %arg0, %c0_i32, %c0_i32_0 : i32, i32, i32
  }
}

module attributes {stable_mosaic.version = 14 : i64} {
  func.func @kern(%arg0: i32, %arg1: memref<1x16x2048xf32, #tpu.memory_space<vmem>>, %arg2: memref<1x2048x128xf32, #tpu.memory_space<vmem>>, %arg3: memref<1x16x128xf32, #tpu.memory_space<vmem>>) attributes {dimension_semantics = [#tpu.dimension_semantics<arbitrary>], iteration_bounds = array<i64: 8>, scalar_prefetch = 0 : i64, scratch_operands = 0 : i64, tpu.core_type = #tpu.core_type<tc>, window_params = [{transform_indices = @transform_0, window_bounds = array<i64: 1, 16, 2048>}, {transform_indices = @transform_1, window_bounds = array<i64: 1, 2048, 128>}, {transform_indices = @transform_2, window_bounds = array<i64: 1, 16, 128>}]} {
    %get3A = arith.constant 0 : index
    %get3A_0 = arith.constant 0 : index
    %get3A_1 = arith.constant 0 : index
    %get3A_2 = vector.load %arg1[%get3A, %get3A_0, %get3A_1] : memref<1x16x2048xf32, #tpu.memory_space<vmem>>, vector<1x16x2048xf32>
    %get3A_3 = vector.shape_cast %get3A_2 : vector<1x16x2048xf32> to vector<16x2048xf32>
    %convert_element_type3A = arith.truncf %get3A_3 : vector<16x2048xf32> to vector<16x2048xbf16>
    %get3A_4 = arith.constant 0 : index
    %get3A_5 = arith.constant 0 : index
    %get3A_6 = arith.constant 0 : index
    %get3A_7 = vector.load %arg2[%get3A_4, %get3A_5, %get3A_6] : memref<1x2048x128xf32, #tpu.memory_space<vmem>>, vector<1x2048x128xf32>
    %get3A_8 = vector.shape_cast %get3A_7 : vector<1x2048x128xf32> to vector<2048x128xf32>
    %convert_element_type3A_9 = arith.truncf %get3A_8 : vector<2048x128xf32> to vector<2048x128xbf16>
    %dot_general3A = arith.constant dense<0.000000e+00> : vector<16x128xf32>
    %dot_general3A_10 = tpu.matmul %convert_element_type3A, %convert_element_type3A_9, %dot_general3A {dimension_numbers = #tpu.dot_dimension_numbers<[1], [0], [0], [1], [0, 0, 1, 1], [], []>, transpose_lhs_hint = false} : vector<16x2048xbf16>, vector<2048x128xbf16>, vector<16x128xf32> -> vector<16x128xf32>
    %swap3A = arith.constant 0 : index
    %swap3A_11 = arith.constant 0 : index
    %swap3A_12 = arith.constant 0 : index
    %swap3A_13 = vector.load %arg3[%swap3A, %swap3A_11, %swap3A_12] : memref<1x16x128xf32, #tpu.memory_space<vmem>>, vector<1x16x128xf32>
    %swap3A_14 = vector.shape_cast %swap3A_13 : vector<1x16x128xf32> to vector<16x128xf32>
    %swap3A_15 = vector.shape_cast %dot_general3A_10 : vector<16x128xf32> to vector<1x16x128xf32>
    tpu.vector_store %arg3[%swap3A, %swap3A_11, %swap3A_12], %swap3A_15 {strides = array<i32>} : memref<1x16x128xf32, #tpu.memory_space<vmem>>, vector<1x16x128xf32>,
    return
  }
  func.func @transform_0(%arg0: i32) -> (i32, i32, i32) {
    %c0_i32 = arith.constant 0 : i32
    %c0_i32_0 = arith.constant 0 : i32
    %c0_i32_1 = arith.constant 0 : i32
    return %arg0, %c0_i32, %c0_i32_0 : i32, i32, i32
  }
  func.func @transform_1(%arg0: i32) -> (i32, i32, i32) {
    %c0_i32 = arith.constant 0 : i32
    %c0_i32_0 = arith.constant 0 : i32
    %c0_i32_1 = arith.constant 0 : i32
    return %arg0, %c0_i32, %c0_i32_0 : i32, i32, i32
  }
  func.func @transform_2(%arg0: i32) -> (i32, i32, i32) {
    %c0_i32 = arith.constant 0 : i32
    %c0_i32_0 = arith.constant 0 : i32
    %c0_i32_1 = arith.constant 0 : i32
    return %arg0, %c0_i32, %c0_i32_0 : i32, i32, i32
  }
}

module attributes {stable_mosaic.version = 14 : i64} {
  func.func @kern(%arg0: memref<8x1024xf32, #tpu.memory_space<vmem>>, %arg1: memref<1024x1024xf32, #tpu.memory_space<vmem>>, %arg2: memref<8x1024xf32, #tpu.memory_space<vmem>>) attributes {dimension_semantics = [], scalar_prefetch = 0 : i64, scratch_operands = 0 : i64, tpu.core_type = #tpu.core_type<tc>} {
    %get3A = arith.constant 0 : index
    %get3A_0 = arith.constant 0 : index
    %get3A_1 = vector.load %arg0[%get3A, %get3A_0] : memref<8x1024xf32, #tpu.memory_space<vmem>>, vector<8x1024xf32>
    %convert_element_type3A = arith.truncf %get3A_1 : vector<8x1024xf32> to vector<8x1024xbf16>
    %get3A_2 = arith.constant 0 : index
    %get3A_3 = arith.constant 0 : index
    %get3A_4 = vector.load %arg1[%get3A_2, %get3A_3] : memref<1024x1024xf32, #tpu.memory_space<vmem>>, vector<1024x1024xf32>
    %convert_element_type3A_5 = arith.truncf %get3A_4 : vector<1024x1024xf32> to vector<1024x1024xbf16>
    %dot_general3A = arith.constant dense<0.000000e+00> : vector<8x1024xf32>
    %dot_general3A_6 = tpu.matmul %convert_element_type3A, %convert_element_type3A_5, %dot_general3A {dimension_numbers = #tpu.dot_dimension_numbers<[1], [0], [0], [1], [0, 0, 1, 1], [], []>, transpose_lhs_hint = false} : vector<8x1024xbf16>, vector<1024x1024xbf16>, vector<8x1024xf32> -> vector<8x1024xf32>
    %swap3A = arith.constant 0 : index
    %swap3A_7 = arith.constant 0 : index
    %swap3A_8 = vector.load %arg2[%swap3A, %swap3A_7] : memref<8x1024xf32, #tpu.memory_space<vmem>>, vector<8x1024xf32>
    tpu.vector_store %arg2[%swap3A, %swap3A_7], %dot_general3A_6 {strides = array<i32>} : memref<8x1024xf32, #tpu.memory_space<vmem>>, vector<8x1024xf32>,
    return
  }
}

module attributes {stable_mosaic.version = 14 : i64} {
  func.func @kern(%arg0: memref<8x1024xf32, #tpu.memory_space<vmem>>, %arg1: memref<1024x6144xf32, #tpu.memory_space<vmem>>, %arg2: memref<8x6144xf32, #tpu.memory_space<vmem>>) attributes {dimension_semantics = [], scalar_prefetch = 0 : i64, scratch_operands = 0 : i64, tpu.core_type = #tpu.core_type<tc>} {
    %get3A = arith.constant 0 : index
    %get3A_0 = arith.constant 0 : index
    %get3A_1 = vector.load %arg0[%get3A, %get3A_0] : memref<8x1024xf32, #tpu.memory_space<vmem>>, vector<8x1024xf32>
    %convert_element_type3A = arith.truncf %get3A_1 : vector<8x1024xf32> to vector<8x1024xbf16>
    %get3A_2 = arith.constant 0 : index
    %get3A_3 = arith.constant 0 : index
    %get3A_4 = vector.load %arg1[%get3A_2, %get3A_3] : memref<1024x6144xf32, #tpu.memory_space<vmem>>, vector<1024x6144xf32>
    %convert_element_type3A_5 = arith.truncf %get3A_4 : vector<1024x6144xf32> to vector<1024x6144xbf16>
    %dot_general3A = arith.constant dense<0.000000e+00> : vector<8x6144xf32>
    %dot_general3A_6 = tpu.matmul %convert_element_type3A, %convert_element_type3A_5, %dot_general3A {dimension_numbers = #tpu.dot_dimension_numbers<[1], [0], [0], [1], [0, 0, 1, 1], [], []>, transpose_lhs_hint = false} : vector<8x1024xbf16>, vector<1024x6144xbf16>, vector<8x6144xf32> -> vector<8x6144xf32>
    %swap3A = arith.constant 0 : index
    %swap3A_7 = arith.constant 0 : index
    %swap3A_8 = vector.load %arg2[%swap3A, %swap3A_7] : memref<8x6144xf32, #tpu.memory_space<vmem>>, vector<8x6144xf32>
    tpu.vector_store %arg2[%swap3A, %swap3A_7], %dot_general3A_6 {strides = array<i32>} : memref<8x6144xf32, #tpu.memory_space<vmem>>, vector<8x6144xf32>,
    return
  }
}

module attributes {stable_mosaic.version = 14 : i64} {
  func.func @kern(%arg0: i32, %arg1: memref<8x6144xf32, #tpu.memory_space<vmem>>, %arg2: memref<6144x512xf32, #tpu.memory_space<vmem>>, %arg3: memref<8x512xf32, #tpu.memory_space<vmem>>) attributes {dimension_semantics = [#tpu.dimension_semantics<arbitrary>], iteration_bounds = array<i64: 12>, scalar_prefetch = 0 : i64, scratch_operands = 0 : i64, tpu.core_type = #tpu.core_type<tc>, window_params = [{pipeline_mode = #tpu.pipeline_mode<synchronous>, transform_indices = @transform_0, window_bounds = array<i64: 8, 6144>}, {transform_indices = @transform_1, window_bounds = array<i64: 6144, 512>}, {transform_indices = @transform_2, window_bounds = array<i64: 8, 512>}]} {
    %get3A = arith.constant 0 : index
    %get3A_0 = arith.constant 0 : index
    %get3A_1 = vector.load %arg1[%get3A, %get3A_0] : memref<8x6144xf32, #tpu.memory_space<vmem>>, vector<8x6144xf32>
    %convert_element_type3A = arith.truncf %get3A_1 : vector<8x6144xf32> to vector<8x6144xbf16>
    %get3A_2 = arith.constant 0 : index
    %get3A_3 = arith.constant 0 : index
    %get3A_4 = vector.load %arg2[%get3A_2, %get3A_3] : memref<6144x512xf32, #tpu.memory_space<vmem>>, vector<6144x512xf32>
    %convert_element_type3A_5 = arith.truncf %get3A_4 : vector<6144x512xf32> to vector<6144x512xbf16>
    %dot_general3A = arith.constant dense<0.000000e+00> : vector<8x512xf32>
    %dot_general3A_6 = tpu.matmul %convert_element_type3A, %convert_element_type3A_5, %dot_general3A {dimension_numbers = #tpu.dot_dimension_numbers<[1], [0], [0], [1], [0, 0, 1, 1], [], []>, transpose_lhs_hint = false} : vector<8x6144xbf16>, vector<6144x512xbf16>, vector<8x512xf32> -> vector<8x512xf32>
    %swap3A = arith.constant 0 : index
    %swap3A_7 = arith.constant 0 : index
    %swap3A_8 = vector.load %arg3[%swap3A, %swap3A_7] : memref<8x512xf32, #tpu.memory_space<vmem>>, vector<8x512xf32>
    tpu.vector_store %arg3[%swap3A, %swap3A_7], %dot_general3A_6 {strides = array<i32>} : memref<8x512xf32, #tpu.memory_space<vmem>>, vector<8x512xf32>,
    return
  }
  func.func @transform_0(%arg0: i32) -> (i32, i32) {
    %c0_i32 = arith.constant 0 : i32
    %c0_i32_0 = arith.constant 0 : i32
    %c0_i32_1 = arith.constant 0 : i32
    return %c0_i32, %c0_i32_0 : i32, i32
  }
  func.func @transform_1(%arg0: i32) -> (i32, i32) {
    %c0_i32 = arith.constant 0 : i32
    %c0_i32_0 = arith.constant 0 : i32
    return %c0_i32, %arg0 : i32, i32
  }
  func.func @transform_2(%arg0: i32) -> (i32, i32) {
    %c0_i32 = arith.constant 0 : i32
    %c0_i32_0 = arith.constant 0 : i32
    return %c0_i32, %arg0 : i32, i32
  }
}

</mosaic_0001>

<sc_bundles>
// kernel: gather_offload_async_start.1
scs
__scs_entry_jumppad:
0x0: {  	(pc) =	sbr.rel $0x88, $3  }
0x1: {  	(tag) =	ssettag $0x0;
	lr =	simm.s32 $0x1  }
0x2: {  	[smem:$0x3F5C] =	sst lr;
	_ =	strace $0xD0000000  }
0x3: {  	_ = 	snop  }
0x4: {  	_ = 	snop  }
0x5: {  	_ = 	snop  }
0x6: {  	_ = 	snop  }
0x7: {  	_ = 	snop  }
__scs_overlays_trampoline_lowered:
0x8: {  	[smem:$0x3F6B] =	sst s0  }
0x9: {  	[smem:$0x3F6C] =	sst s1  }
0xa: {  	[smem:$0x3F6D] =	sst s2  }
0xb: {  	[smem:$0x3F6E] =	sst s3  }
0xc: {  	[smem:$0x3F6F] =	sst s4  }
0xd: {  	[smem:$0x3F70] =	sst s5  }
0xe: {  	[smem:$0x3F71] =	sst s6  }
0xf: {  	[smem:$0x3F72] =	sst s7  }
0x10: {  	[smem:$0x3F73] =	sst s8  }
0x11: {  	[smem:$0x3F74] =	sst s9;
	s0 =	simm.s32 @!p0 $0x0  }
0x12: {  	s1 =	sld [smem:$0x3F5A];
	s0 =	simm.s32 @p0 $0x1  }
0x13: {  	[smem:$0x3F75] =	sst s0;
	s0 =	simm.s32 @!p1 $0x0  }
0x14: {  	s2 =	sld [smem:$0x3F59];
	s0 =	simm.s32 @p1 $0x1  }
0x15: {  	[smem:$0x3F76] =	sst s0;
	s0 =	simm.s32 @!p2 $0x0  }
0x16: {  	s3 =	sld [smem:$0x3FDB];
	s0 =	simm.s32 @p2 $0x1  }
0x17: {  	s4 =	simm.s32 $0x1BF5;
	[smem:$0x3F78] =	sst s0  }
0x18: {  	s0 =	sld [smem:$0x3F5B];
	_ =	swait.ge [sflag:s4], $0x0  }
0x19: {  	s7 =	sld [smem:$0x3F5C]  }
0x1a: {  	s8 =	sadd.s32 $0xFFFFE003, lr  }
0x1b: {  	s9 =	sadd.s32 $0xFFFFFEF7, lr;
	s5 =	simm.s32 $0xFFFFFFFF;
	p2 =	slt.u32 s8, $0xFFFFF086  }
0x1c: {  	p1 =	slt.u32 s9, $0xF7A;
	s5 =	simm.s32 @!p2 $0x0  }
0x1d: {  	s5 =	simm.s32 @p1 $0x1;
	p0 =	seq.s32 s7, s2  }
0x1e: {  	s7 =	smul.u32 @!p0 $0xF7A, s2;
	p2 =	seq.s32 @!p0 s5, $0x0  }
0x1f: {  	s9 =	smul.u32 $0xF7A, s1;
	s8 =	simm.s32 @!p0 $0x1BF5;
	p2 =	por !p2, p0  }
0x20: {  	[sflag:s8] =	ssyncset.s32 @!p0 $0xFFFFF086;
	s6 =	sadd.s32 @!p0 s3, s7;
	s7 =	simm.s32 @!p0 $0x108  }
0x21: {  	s3 =	sadd.s32 s3, s9;
	s6 =	sadd.s32 @!p0 $0x88, s6;
	s7 =	simm.s32 @p2 $0x1082  }
0x22: {  	[simem:s7], [sflag:s8] =	dma.local @!p0 [hbm:s6], $0xF7A  }
0x23: {  	s9 =	sor.u32 $0xD0000000, s2;
	s6 =	simm.s32 $0x108;
	_ =	swait.ge @!p0 [sflag:s8], $0x0  }
0x24: {  	s3 =	sadd.s32 $0x88, s3;
	s6 =	simm.s32 @!p1 $0x1082;
	[sflag:s4] =	ssyncset.s32 $0xFFFFF086  }
0x25: {  	[simem:s6], [sflag:s4] =	dma.local [hbm:s3], $0xF7A  }
0x26: {  	[smem:$0x3F5C] =	sst s1;
	(tag) =	ssettag s2;
	_ =	strace s9  }
0x27: {  	s1 =	sld [smem:$0x3F6C]  }
0x28: {  	s2 =	sld [smem:$0x3F6D]  }
0x29: {  	s4 =	sld [smem:$0x3F6F]  }
0x2a: {  	p0 =	seq.s32 s5, $0x0;
	s5 =	sld [smem:$0x3F70]  }
0x2b: {  	s6 =	sld [smem:$0x3F71]  }
0x2c: {  	s7 =	sld [smem:$0x3F72]  }
0x2d: {  	s3 =	simm.s32 $0x108;
	s8 =	sld [smem:$0x3F73]  }
0x2e: {  	s3 =	simm.s32 @!p0 $0x1082;
	s9 =	sld [smem:$0x3F74]  }
0x2f: {  	lr =	sadd.s32 s0, s3;
	s0 =	sld [smem:$0x3F6B]  }
0x30: {  	s3 =	sld [smem:$0x3F6E]  }
0x31: {  	[smem:$0x3F77] =	sst s10  }
0x32: {  	s10 =	sld [smem:$0x3F75];
	_ =	sdelay $0x3  }
0x33: {  	p0 =	seq.s32 s10, $0x1;
	s10 =	sld [smem:$0x3F77];
	_ =	sdelay $0x3  }
0x34: {  	[smem:$0x3F77] =	sst s10  }
0x35: {  	s10 =	sld [smem:$0x3F76];
	_ =	sdelay $0x3  }
0x36: {  	p1 =	seq.s32 s10, $0x1;
	s10 =	sld [smem:$0x3F77];
	_ =	sdelay $0x3  }
0x37: {  	[smem:$0x3F77] =	sst s10  }
0x38: {  	s10 =	sld [smem:$0x3F78]  }
0x39: {  	_ = 	snop;
	(pc) =	sbr.ind lr, $3  }
0x3a: {  	_ = 	snop  }
0x3b: {  	_ = 	snop  }
0x3c: {  	p2 =	seq.s32 s10, $0x1;
	s10 =	sld [smem:$0x3F77]  }
0x3d: {  	_ =	shalt  }
0x3e: {  	_ =	shalt  }
0x3f: {  	_ =	shalt  }
0x40: {  	_ =	shalt  }
0x41: {  	_ =	shalt  }
0x42: {  	_ =	shalt  }
0x43: {  	_ =	shalt  }
0x44: {  	_ =	shalt  }
0x45: {  	_ =	shalt  }
0x46: {  	_ =	shalt  }
0x47: {  	_ =	shalt  }
0x48: {  	_ =	shalt  }
0x49: {  	_ =	shalt  }
0x4a: {  	_ =	shalt  }
0x4b: {  	_ =	shalt  }
0x4c: {  	_ =	shalt  }
0x4d: {  	_ =	shalt  }
0x4e: {  	_ =	shalt  }
0x4f: {  	_ =	shalt  }
0x50: {  	_ =	shalt  }
0x51: {  	_ =	shalt  }
0x52: {  	_ =	shalt  }
0x53: {  	_ =	shalt  }
0x54: {  	_ =	shalt  }
0x55: {  	_ =	shalt  }
0x56: {  	_ =	shalt  }
0x57: {  	_ =	shalt  }
0x58: {  	_ =	shalt  }
0x59: {  	_ =	shalt  }
0x5a: {  	_ =	shalt  }
0x5b: {  	_ =	shalt  }
0x5c: {  	_ =	shalt  }
0x5d: {  	_ =	shalt  }
0x5e: {  	_ =	shalt  }
0x5f: {  	_ =	shalt  }
0x60: {  	_ =	shalt  }
0x61: {  	_ =	shalt  }
0x62: {  	_ =	shalt  }
0x63: {  	_ =	shalt  }
0x64: {  	_ =	shalt  }
0x65: {  	_ =	shalt  }
0x66: {  	_ =	shalt  }
0x67: {  	_ =	shalt  }
0x68: {  	_ =	shalt  }
0x69: {  	_ =	shalt  }
0x6a: {  	_ =	shalt  }
0x6b: {  	_ =	shalt  }
0x6c: {  	_ =	shalt  }
0x6d: {  	_ =	shalt  }
0x6e: {  	_ =	shalt  }
0x6f: {  	_ =	shalt  }
0x70: {  	_ =	shalt  }
0x71: {  	_ =	shalt  }
0x72: {  	_ =	shalt  }
0x73: {  	_ =	shalt  }
0x74: {  	_ =	shalt  }
0x75: {  	_ =	shalt  }
0x76: {  	_ =	shalt  }
0x77: {  	_ =	shalt  }
0x78: {  	_ =	shalt  }
0x79: {  	_ =	shalt  }
0x7a: {  	_ =	shalt  }
0x7b: {  	_ =	shalt  }
0x7c: {  	_ =	shalt  }
0x7d: {  	_ =	shalt  }
0x7e: {  	_ =	shalt  }
0x7f: {  	_ =	shalt  }
0x80: {  	_ =	shalt  }
0x81: {  	_ =	shalt  }
0x82: {  	_ =	shalt  }
0x83: {  	_ =	shalt  }
0x84: {  	_ =	shalt  }
0x85: {  	_ =	shalt  }
0x86: {  	_ =	shalt  }
0x87: {  	_ =	shalt  }
.Lfunc_end0:
.L_simem_size_0:
called_computation.2_lowered:
.L_overlay_start_0:
0x88: {  	s2 =	sld [smem:$0x3FD9]  }
0x89: {  	s3 =	sld [smem:$0x3FFE];
	_ =	sdelay $0x1  }
0x8a: {  	s1 =	srdreg.scid  }
0x8b: {  	s0 =	sand.u32 $0x1, s1  }
0x8c: {  	s17 =	sshll.u32 s0, $0xA;
	s2 =	sadd.s32 s3, s2  }
0x8d: {  	s2 =	sadd.s32 s2, s17  }
0x8e: {  	[smem:$0x3F83] =	sst s2  }
0x8f: {  	_ = 	snop  }
0x90: {  	(tm) =	ssettm $0x1  }
0x91: {  	s18 =	sld [smem:$0x3FFB];
	_ =	sdelay $0x3  }
0x92: {  	_ =	strace s18  }
0x93: {  	s2 =	sld [smem:$0x3FFC];
	_ =	sdelay $0x3  }
0x94: {  	_ =	strace s2  }
0x95: {  	s2 =	sld [smem:$0x3FFD];
	_ =	sdelay $0x3  }
0x96: {  	_ =	strace s2  }
0x97: {  	_ =	strace $0x8FFFFFFF  }
0x98: {  	s19 =	sld [smem:$0x3FDB];
	_ =	sdelay $0x1  }
0x99: {  	s20 =	simm.s32 $_scs_section_size  }
0x9a: {  	s4 =	simm.s32 $_size__tile_overlayer_lowered;
	s5 =	simm.s32 $_tile_overlayer_lowered  }
0x9b: {  	s6 =	simm.s32 $0x1BFF;
	s21 =	sshll.u32 s5, $0x1;
	s3 =	sadd.s32 s20, s19  }
0x9c: {  	s22 =	simm.s32 $0x0;
	s4 =	sshll.u32 s4, $0x1;
	s5 =	sadd.s32 s21, s3  }
0x9d: {  	[timem:s22], [sflag:s6] =	dma.local [hbm:s5], s4  }
0x9e: {  	_ =	swait.ge [sflag:s6], s4  }
0x9f: {  	s4 =	ssub.s32 $0x0, s4;
	[sflag:s6] =	ssyncset.done $0x0  }
0xa0: {  	[sflag:s6] =	ssyncadd.s32 s4;
	_ =	sdelay $0x1  }
0xa1: {  	s23 =	simm.s32 $0x1B8B  }
0xa2: {  	_ =	swait.ge [sflag:s23], $0x1  }
0xa3: {  	[sflag:s23] =	ssyncset.done $0x0  }
0xa4: {  	[sflag:s23] =	ssyncadd.s32 $0xFFFFFFFF  }
0xa5: {  	s4 =	sld [smem:$0x0]  }
0xa6: {  	s5 =	sand.u32 $0xFFFFFFFE, s1  }
0xa7: {  	p0 =	sne.s32 s1, s5  }
0xa8: {  	s5 =	sshll.u32 @p0 s5, $0xE  }
0xa9: {  	s5 =	sadd.s32 @p0 $0x11B8D, s5;
	s6 =	sshll.u32 @p0 s4, $0x11  }
0xaa: {  	s5 =	sor.u32 @p0 s6, s5  }
0xab: {  	[sflag:s5] =	ssyncadd.remote.s32 @p0 $0x1;
	_ =	sdelay $0x1  }
0xac: {  	s5 =	simm.s32 @p0 $0x1B8D  }
0xad: {  	_ =	swait.eq @p0 [sflag:s5], $0x1  }
0xae: {  	[sflag:s5] =	ssyncadd.s32 @p0 $0xFFFFFFFF  }
0xaf: {  	s6 =	sshll.u32 @!p0 s1, $0xE  }
0xb0: {  	s6 =	sor.u32 @!p0 $0x4000, s6;
	s5 =	simm.s32 @!p0 $0x1B8D  }
0xb1: {  	s4 =	sshll.u32 @!p0 s4, $0x11;
	s6 =	sadd.s32 @!p0 $0x11B8D, s6;
	_ =	swait.eq @!p0 [sflag:s5], $0x1  }
0xb2: {  	s4 =	sor.u32 @!p0 s4, s6;
	[sflag:s5] =	ssyncadd.s32 @!p0 $0xFFFFFFFF  }
0xb3: {  	s25 =	simm.s32 $0x1B8E;
	s24 =	sld [smem:$0x3FFE];
	[sflag:s4] =	ssyncadd.remote.s32 @!p0 $0x1  }
0xb4: {  	s26 =	simm.s32 $execute0_lowered;
	[smem:$0x3FD2] =	sst s25  }
0xb5: {  	s5 =	sshll.u32 s26, $0x1;
	_ =	strace $0x8000004C;
	[dreg:$0x1] =	wrdreg $0xFFFFFFFF  }
0xb6: {  	s28 =	simm.s32 $_size_execute0_lowered;
	s3 =	sadd.s32 s3, s5;
	[dreg:$0x0] =	wrdreg $0x0  }
0xb7: {  	s5 =	sshll.u32 s28, $0x1;
	[dreg:$0x2] =	wrdreg s3  }
0xb8: {  	[dreg:$0x3] =	wrdreg s5  }
0xb9: {  	[dreg:$0x4] =	wrdreg $0xC0  }
0xba: {  	_ =	task [dreg:s22], $0x5FFFF  }
0xbb: {  	[dreg:$0x1] =	wrdreg $0xFFFFFFFF  }
0xbc: {  	[dreg:$0x0] =	wrdreg $0x60  }
0xbd: {  	[dreg:$0x2] =	wrdreg s24  }
0xbe: {  	[dreg:$0x3] =	wrdreg $0xA  }
0xbf: {  	_ =	task.clear_ibuf [dreg:s22], $0x4FFFF;
	_ =	strace $0x9000004C  }
0xc0: {  	s29 =	simm.s32 $0xA;
	_ =	strace $0x8000004E  }
0xc1: {  	_ =	swait.ge [sflag:s29], $0x1  }
0xc2: {  	[sflag:s29] =	ssyncadd.s32 $0xFFFFFFFF  }
0xc3: {  	_ =	strace $0x9000004E  }
0xc4: {  	_ =	sfence  }
0xc5: {  	s30 =	sld [smem:$0x0];
	_ =	sdelay $0x2  }
0xc6: {  	s31 =	sshll.u32 s1, $0xD;
	s1 =	sshrl.u32 s1, $0x2  }
0xc7: {  	s4 =	sand.u32 $0x4000, s31;
	s1 =	sadd.s32 s1, s30  }
0xc8: {  	s0 =	sor.u32 s4, s0;
	s1 =	sshll.u32 s1, $0x11  }
0xc9: {  	s0 =	sor.u32 s1, s0  }
0xca: {  	s0 =	sadd.s32 $0x8F2B, s0  }
0xcb: {  	[sflag:s0] =	ssyncadd.remote.s32 $0x1  }
0xcc: {  	_ =	sfence.sel $0xFFFF  }
0xcd: {  	[dreg:$0x0] =	wrdreg $0xFFFFFFFF;
	(pc) =	sbr.abs _section_cstart, $3  }
0xce: {  	[dreg:$0x1] =	wrdreg $0xFFFFFFFF  }
0xcf: {  	_ =	task.clear_ibuf [dreg:s22], $0x2FFFF;
	_ =	strace $0x9FFFFFFF  }
0xd0: {  	(tm) =	ssettm $0x7FFFFFFF  }
0xd1: {  	_ =	shalt  }
tec
execute0_lowered:
.L_overlay_start_1:
0x0: {  	(tag) =	ssettag $0x1  }
0x1: {  	s0 =	srdreg.scid;
	s2 =	rddreg [dreg:$0x0]  }
0x2: {  	s1 =	stileid.u32;
	s5 =	simm.s32 $0x2;
	s9 =	simm.s32 $0x3  }
0x3: {  	s3 =	sshll.u32 s0, $0x4;
	s0 =	rddreg [dreg:$0x1];
	_ =	strace $0x8000004D  }
.Ltmp0:
0x4: {  	s4 =	sand.u32 $0x10, s3;
	s3 =	simm.s32 $0x1;
	(pc) =	sbr.rel .LBB2_1-.Ltmp0, $4  }
0x5: {  	s11 =	simm.s32 $0x0;
	s4 =	sor.u32 s1, s4;
	[sflag:s3] =	ssyncpa.u1 $0x0  }
0x6: {  	p0 =	por $0x0, $0x0;
	s4 =	smul.u32 $0x300, s4;
	[sflag:s5] =	ssyncpa.u1 $0x0  }
0x7: {  	s6 =	sadd.s32 $0x71200, s2;
	s7 =	sadd.s32 $0x71E00, s2;
	[sflag:s9] =	ssyncpa.u1 $0x0  }
0x8: {  	vm0 =	vmmov $0xff;
	vm1 =	vcmask $0x3F20;
	s9 =	simm.s32 $0x0;
	s8 =	sadd.s32 $0x300, s4;
	s10 =	smov.u32 s4  }
.LBB2_6:
0x9: {  	[hbm:s15] =	stream.linear.scatter [tilespmem:s12], [sflag:$0x3], $0x400, $0x38;
	[tilespmem:$0x18300] =	vst v63  }
.LBB2_7:
0xa: {  	p1 =	slt.u32 s9, $0x2;
	s11 =	sadd.s32 $0x180, s10  }
0xb: {  	s13 =	smov.u32 s4;
	s9 =	sadd.s32 $0x1, s9;
	p2 =	slt.s32 s11, s8  }
0xc: {  	s13 =	smov.u32 @p2 s11;
	p2 =	sne.s32 s9, $0x4  }
.Ltmp1:
0xd: {  	_ = 	snop;
	(pc) =	sbr.rel @!p2 .LBB2_8-.Ltmp1, $4  }
0xe: {  	s12 =	simm.s32 @!p1 $0x3  }
0xf: {  	_ =	swait.ge @!p1 [sflag:s12], $0xC000  }
0x10: {  	p0 =	por !p0, !p0;
	[sflag:s12] =	ssyncset.done @!p1 $0x0  }
0x11: {  	s11 =	smov.u32 s10;
	s10 =	smov.u32 s13;
	[sflag:s12] =	ssyncadd.s32 @!p1 $0xFFFF4000  }
.LBB2_1:
0x12: {  	p1 =	sgt.u32 s9, $0x1  }
0x13: {  	s12 =	sxor.u32 @!p1 $0x1, s9  }
0x14: {  	s12 =	smul.u32 @!p1 $0x600, s12  }
0x15: {  	s31 =	sadd.s32 $0xFFFFFFFF, s9;
	s13 =	sshrl.u32 @!p1 s10, $0x3  }
0x16: {  	s14 =	sand.u32 @!p1 $0x7, s10;
	s13 =	sadd.s32 @!p1 s6, s13;
	s12 =	sshra.s32 @!p1 s12, $0x2  }
0x17: {  	[tilespmem:s12], [sflag:$0x2] =	stream.linear.gather @!p1 [hbm4b:s13+s14], $0x180, $0x38;
	[tilespmem:$0x18300] =	vst v63  }
0x18: {  	p1 =	sgt.u32 s31, $0x1  }
.Ltmp2:
0x19: {  	_ = 	snop;
	(pc) =	sbr.rel @p1 .LBB2_7-.Ltmp2, $1  }
0x1a: {  	_ =	sdelay $0x3  }
0x1b: {  	s12 =	simm.s32 $0x1  }
0x1c: {  	s12 =	simm.s32 @!p0 $0x0  }
0x1d: {  	s13 =	smul.u32 $0x600, s12  }
0x1e: {  	_ =	swait.ge [sflag:s5], $0x180  }
0x1f: {  	[sflag:s5] =	ssyncset.done $0x0;
	s14 =	sshrl.u32 s13, $0x2  }
0x20: {  	[sflag:s5] =	ssyncadd.s32 $0xFFFFFE80;
	s13 =	sadd.s32 $0x0, s14  }
0x21: {  	v0 =	vld.msk [tilespmem:s13+$0x0 ss:$0x1], $0xffff;
	_ =	sdelay $0x4  }
0x22: {  	v1 =	vshll.u32 v0, $0x4  }
0x23: {  	vm2 =	veq.s32 v0, $0x80000000;
	v0 =	vshll.u32 v0, $0x12;
	v1 =	vand.u32 $0x3FF80, v1  }
0x24: {  	v0 =	vand.u32 $0x1C0000, v0;
	v1 =	vsel vm2, $0xFFFFFF80, v1  }
0x25: {  	v0 =	vsel vm2, $0xFFFC0000, v0;
	v2 =	vand.u32 $0xFFFFFC00, v1  }
0x26: {  	v1 =	vand.u32 $0x380, v1;
	v0 =	vadd.s32 v0, v2  }
0x27: {  	v0 =	vor.u32 v1, v0  }
0x28: {  	v0 =	vshrl.u32 v0, $0x3  }
0x29: {  	s12 =	smul.u32 $0x30000, s12;
	_ =	sdelay $0x1  }
0x2a: {  	s12 =	sshrl.u32 s12, $0x2  }
0x2b: {  	s12 =	sor.u32 $0x300, s12  }
0x2c: {  	[tilespmem:s12], [sflag:$0x1] =	stream.indirect_vreg.gather [hbm:s2], $0x80, v0, vm0, $0x38;
	[tilespmem:$0x18300] =	vst v63  }
0x2d: {  	s15 =	sadd.s32 $0x10, s14;
	s13 =	sadd.s32 $0x400, s12  }
0x2e: {  	[tilespmem:s13], [sflag:$0x1] =	stream.indirect_vreg.gather [hbm:s2], $0x80, v0, vm1, $0x38;
	[tilespmem:$0x18300] =	vst v63  }
0x2f: {  	s16 =	simm.s32 $0x80;
	v0 =	vld.msk [tilespmem:s15+$0x0 ss:$0x1], $0xffff;
	s15 =	smov.u32 s12  }
.LBB2_3:
0x30: {  	p1 =	sne.s32 s16, $0x5C0;
	_ =	sdelay $0x4  }
0x31: {  	v1 =	vshll.u32 v0, $0x4  }
0x32: {  	vm2 =	veq.s32 v0, $0x80000000;
	v0 =	vshll.u32 v0, $0x12;
	v1 =	vand.u32 $0x3FF80, v1  }
0x33: {  	v0 =	vand.u32 $0x1C0000, v0;
	v1 =	vsel vm2, $0xFFFFFF80, v1  }
0x34: {  	v0 =	vsel vm2, $0xFFFC0000, v0;
	v2 =	vand.u32 $0xFFFFFC00, v1  }
0x35: {  	v1 =	vand.u32 $0x380, v1;
	v0 =	vadd.s32 v0, v2  }
0x36: {  	v0 =	vor.u32 v1, v0  }
0x37: {  	v0 =	vshrl.u32 v0, $0x3;
	_ =	sdelay $0x3  }
.Ltmp3:
0x38: {  	s17 =	sshra.s32 s16, $0x2;
	s15 =	sadd.s32 $0x800, s15;
	(pc) =	sbr.rel @p1 .LBB2_3-.Ltmp3, $4  }
0x39: {  	[tilespmem:s15], [sflag:$0x1] =	stream.indirect_vreg.gather [hbm:s2], $0x80, v0, vm0, $0x38;
	[tilespmem:$0x18300] =	vst v63  }
0x3a: {  	s17 =	sadd.s32 s17, s14;
	s18 =	sadd.s32 $0x400, s15  }
0x3b: {  	[tilespmem:s18], [sflag:$0x1] =	stream.indirect_vreg.gather [hbm:s2], $0x80, v0, vm1, $0x38;
	[tilespmem:$0x18300] =	vst v63  }
0x3c: {  	s16 =	sadd.s32 $0x40, s16;
	v0 =	vld.msk [tilespmem:s17+$0x0 ss:$0x1], $0xffff  }
0x3d: {  	_ =	sdelay $0x3  }
0x3e: {  	v1 =	vshll.u32 v0, $0x4  }
0x3f: {  	vm2 =	veq.s32 v0, $0x80000000;
	v63 =	vshll.u32 v0, $0x12;
	v1 =	vand.u32 $0x3FF80, v1  }
0x40: {  	v0 =	vand.u32 $0x1C0000, v63;
	v1 =	vsel vm2, $0xFFFFFF80, v1  }
0x41: {  	v0 =	vsel vm2, $0xFFFC0000, v0;
	v2 =	vand.u32 $0xFFFFFC00, v1  }
0x42: {  	v1 =	vand.u32 $0x380, v1;
	v0 =	vadd.s32 v0, v2  }
0x43: {  	v0 =	vor.u32 v1, v0  }
0x44: {  	v0 =	vshrl.u32 v0, $0x3;
	_ =	sdelay $0x3  }
0x45: {  	s14 =	sadd.s32 $0x800, s15  }
0x46: {  	[tilespmem:s14], [sflag:$0x1] =	stream.indirect_vreg.gather [hbm:s2], $0x80, v0, vm0, $0x38;
	[tilespmem:$0x18300] =	vst v63  }
0x47: {  	s14 =	sadd.s32 $0x400, s14  }
0x48: {  	[tilespmem:s14], [sflag:$0x1] =	stream.indirect_vreg.gather [hbm:s2], $0x80, v0, vm1, $0x38;
	[tilespmem:$0x18300] =	vst v63  }
0x49: {  	s11 =	sshll.u32 s11, $0x4;
	_ =	swait.ge [sflag:s3], $0xC000  }
0x4a: {  	s11 =	sadd.s32 s11, s7;
	[sflag:s3] =	ssyncset.done $0x0  }
0x4b: {  	s15 =	sadd.s32 $0x0, s11;
	s14 =	simm.s32 $0x80;
	[sflag:s3] =	ssyncadd.s32 $0xFFFF4000  }
.LBB2_5:
0x4c: {  	[hbm:s15] =	stream.linear.scatter [tilespmem:s12], [sflag:$0x3], $0x400, $0x38;
	[tilespmem:$0x18300] =	vst v63  }
0x4d: {  	s15 =	smov.u32 s14;
	s12 =	smov.u32 s13;
	p1 =	sne.s32 s14, $0x1780  }
.Ltmp4:
0x4e: {  	s14 =	sadd.s32 $0x80, s14;
	(pc) =	sbr.rel @p1 .LBB2_5-.Ltmp4, $2  }
0x4f: {  	_ =	sdelay $0x2  }
0x50: {  	s13 =	sadd.s32 $0x400, s13;
	s15 =	sadd.s32 s15, s11  }
.Ltmp5:
0x51: {  	_ = 	snop;
	(pc) =	sbr.rel .LBB2_6-.Ltmp5, $1  }
0x52: {  	_ =	sdelay $0x3  }
.LBB2_8:
0x53: {  	_ =	sfence.sel $0x180000  }
0x54: {  	s2 =	simm.s32 $0x2;
	[bflag:$0x0] =	sbarrier.arrive $0xFFFF  }
0x55: {  	s30 =	simm.s32 $0x3;
	[sflag:s2] =	ssyncpa.u1 $0x1  }
0x56: {  	s31 =	simm.s32 $0x1;
	[sflag:s30] =	ssyncpa.u1 $0x1  }
0x57: {  	[sflag:s31] =	ssyncpa.u1 $0x1  }
0x58: {  	p0 =	sne.s32 s1, $0x0;
	_ =	strace $0x9000004D  }
0x59: {  	s0 =	sadd.s32 @!p0 $0x100000, s0;
	[bflag:$0x2] =	sbarrier.arrive $0xFFFF  }
0x5a: {  	[sflag:s0] =	ssyncadd.tile.s32 @!p0 $0x1;
	_ =	shalt  }
.Lfunc_end2:
_tile_overlayer_lowered:
.L_overlay_start_2:
0x5b: {  	(tag) =	ssettag $0x2  }
0x5c: {  	s0 =	rddreg [dreg:$0x0];
	s2 =	stileid.u32  }
0x5d: {  	s1 =	rddreg [dreg:$0x1];
	p0 =	sne.s32 s2, $0x0  }
0x5e: {  	s3 =	rddreg [dreg:$0x2];
	[bflag:$0x3] =	sbarrier.arrive $0xFFFF;
	s2 =	simm.s32 @!p0 $0x1C01  }
0x5f: {  	[timem:s3], [sflag:s2] =	dma.local @!p0 [hbm:s0], s1  }
0x60: {  	s0 =	simm.s32 @!p0 $0x1  }
0x61: {  	_ =	swait.ge @!p0 [sflag:s0], s1  }
0x62: {  	s1 =	ssub.s32 @!p0 $0x0, s1;
	[sflag:s0] =	ssyncset.done @!p0 $0x0  }
0x63: {  	[sflag:s0] =	ssyncadd.s32 @!p0 s1  }
0x64: {  	[bflag:$0x3] =	sbarrier.arrive $0xFFFF  }
0x65: {  	_ =	shalt  }

// kernel: gather_offload_async_start.2
scs
__scs_entry_jumppad:
0x0: {  	(pc) =	sbr.rel $0x88, $3  }
0x1: {  	(tag) =	ssettag $0x0;
	lr =	simm.s32 $0x1  }
0x2: {  	[smem:$0x3F5C] =	sst lr;
	_ =	strace $0xD0000000  }
0x3: {  	_ = 	snop  }
0x4: {  	_ = 	snop  }
0x5: {  	_ = 	snop  }
0x6: {  	_ = 	snop  }
0x7: {  	_ = 	snop  }
__scs_overlays_trampoline_lowered:
0x8: {  	[smem:$0x3F6B] =	sst s0  }
0x9: {  	[smem:$0x3F6C] =	sst s1  }
0xa: {  	[smem:$0x3F6D] =	sst s2  }
0xb: {  	[smem:$0x3F6E] =	sst s3  }
0xc: {  	[smem:$0x3F6F] =	sst s4  }
0xd: {  	[smem:$0x3F70] =	sst s5  }
0xe: {  	[smem:$0x3F71] =	sst s6  }
0xf: {  	[smem:$0x3F72] =	sst s7  }
0x10: {  	[smem:$0x3F73] =	sst s8  }
0x11: {  	[smem:$0x3F74] =	sst s9;
	s0 =	simm.s32 @!p0 $0x0  }
0x12: {  	s1 =	sld [smem:$0x3F5A];
	s0 =	simm.s32 @p0 $0x1  }
0x13: {  	[smem:$0x3F75] =	sst s0;
	s0 =	simm.s32 @!p1 $0x0  }
0x14: {  	s2 =	sld [smem:$0x3F59];
	s0 =	simm.s32 @p1 $0x1  }
0x15: {  	[smem:$0x3F76] =	sst s0;
	s0 =	simm.s32 @!p2 $0x0  }
0x16: {  	s3 =	sld [smem:$0x3FDB];
	s0 =	simm.s32 @p2 $0x1  }
0x17: {  	s4 =	simm.s32 $0x1BF5;
	[smem:$0x3F78] =	sst s0  }
0x18: {  	s0 =	sld [smem:$0x3F5B];
	_ =	swait.ge [sflag:s4], $0x0  }
0x19: {  	s7 =	sld [smem:$0x3F5C]  }
0x1a: {  	s8 =	sadd.s32 $0xFFFFE003, lr  }
0x1b: {  	s9 =	sadd.s32 $0xFFFFFEF7, lr;
	s5 =	simm.s32 $0xFFFFFFFF;
	p2 =	slt.u32 s8, $0xFFFFF086  }
0x1c: {  	p1 =	slt.u32 s9, $0xF7A;
	s5 =	simm.s32 @!p2 $0x0  }
0x1d: {  	s5 =	simm.s32 @p1 $0x1;
	p0 =	seq.s32 s7, s2  }
0x1e: {  	s7 =	smul.u32 @!p0 $0xF7A, s2;
	p2 =	seq.s32 @!p0 s5, $0x0  }
0x1f: {  	s9 =	smul.u32 $0xF7A, s1;
	s8 =	simm.s32 @!p0 $0x1BF5;
	p2 =	por !p2, p0  }
0x20: {  	[sflag:s8] =	ssyncset.s32 @!p0 $0xFFFFF086;
	s6 =	sadd.s32 @!p0 s3, s7;
	s7 =	simm.s32 @!p0 $0x108  }
0x21: {  	s3 =	sadd.s32 s3, s9;
	s6 =	sadd.s32 @!p0 $0x88, s6;
	s7 =	simm.s32 @p2 $0x1082  }
0x22: {  	[simem:s7], [sflag:s8] =	dma.local @!p0 [hbm:s6], $0xF7A  }
0x23: {  	s9 =	sor.u32 $0xD0000000, s2;
	s6 =	simm.s32 $0x108;
	_ =	swait.ge @!p0 [sflag:s8], $0x0  }
0x24: {  	s3 =	sadd.s32 $0x88, s3;
	s6 =	simm.s32 @!p1 $0x1082;
	[sflag:s4] =	ssyncset.s32 $0xFFFFF086  }
0x25: {  	[simem:s6], [sflag:s4] =	dma.local [hbm:s3], $0xF7A  }
0x26: {  	[smem:$0x3F5C] =	sst s1;
	(tag) =	ssettag s2;
	_ =	strace s9  }
0x27: {  	s1 =	sld [smem:$0x3F6C]  }
0x28: {  	s2 =	sld [smem:$0x3F6D]  }
0x29: {  	s4 =	sld [smem:$0x3F6F]  }
0x2a: {  	p0 =	seq.s32 s5, $0x0;
	s5 =	sld [smem:$0x3F70]  }
0x2b: {  	s6 =	sld [smem:$0x3F71]  }
0x2c: {  	s7 =	sld [smem:$0x3F72]  }
0x2d: {  	s3 =	simm.s32 $0x108;
	s8 =	sld [smem:$0x3F73]  }
0x2e: {  	s3 =	simm.s32 @!p0 $0x1082;
	s9 =	sld [smem:$0x3F74]  }
0x2f: {  	lr =	sadd.s32 s0, s3;
	s0 =	sld [smem:$0x3F6B]  }
0x30: {  	s3 =	sld [smem:$0x3F6E]  }
0x31: {  	[smem:$0x3F77] =	sst s10  }
0x32: {  	s10 =	sld [smem:$0x3F75];
	_ =	sdelay $0x3  }
0x33: {  	p0 =	seq.s32 s10, $0x1;
	s10 =	sld [smem:$0x3F77];
	_ =	sdelay $0x3  }
0x34: {  	[smem:$0x3F77] =	sst s10  }
0x35: {  	s10 =	sld [smem:$0x3F76];
	_ =	sdelay $0x3  }
0x36: {  	p1 =	seq.s32 s10, $0x1;
	s10 =	sld [smem:$0x3F77];
	_ =	sdelay $0x3  }
0x37: {  	[smem:$0x3F77] =	sst s10  }
0x38: {  	s10 =	sld [smem:$0x3F78]  }
0x39: {  	_ = 	snop;
	(pc) =	sbr.ind lr, $3  }
0x3a: {  	_ = 	snop  }
0x3b: {  	_ = 	snop  }
0x3c: {  	p2 =	seq.s32 s10, $0x1;
	s10 =	sld [smem:$0x3F77]  }
0x3d: {  	_ =	shalt  }
0x3e: {  	_ =	shalt  }
0x3f: {  	_ =	shalt  }
0x40: {  	_ =	shalt  }
0x41: {  	_ =	shalt  }
0x42: {  	_ =	shalt  }
0x43: {  	_ =	shalt  }
0x44: {  	_ =	shalt  }
0x45: {  	_ =	shalt  }
0x46: {  	_ =	shalt  }
0x47: {  	_ =	shalt  }
0x48: {  	_ =	shalt  }
0x49: {  	_ =	shalt  }
0x4a: {  	_ =	shalt  }
0x4b: {  	_ =	shalt  }
0x4c: {  	_ =	shalt  }
0x4d: {  	_ =	shalt  }
0x4e: {  	_ =	shalt  }
0x4f: {  	_ =	shalt  }
0x50: {  	_ =	shalt  }
0x51: {  	_ =	shalt  }
0x52: {  	_ =	shalt  }
0x53: {  	_ =	shalt  }
0x54: {  	_ =	shalt  }
0x55: {  	_ =	shalt  }
0x56: {  	_ =	shalt  }
0x57: {  	_ =	shalt  }
0x58: {  	_ =	shalt  }
0x59: {  	_ =	shalt  }
0x5a: {  	_ =	shalt  }
0x5b: {  	_ =	shalt  }
0x5c: {  	_ =	shalt  }
0x5d: {  	_ =	shalt  }
0x5e: {  	_ =	shalt  }
0x5f: {  	_ =	shalt  }
0x60: {  	_ =	shalt  }
0x61: {  	_ =	shalt  }
0x62: {  	_ =	shalt  }
0x63: {  	_ =	shalt  }
0x64: {  	_ =	shalt  }
0x65: {  	_ =	shalt  }
0x66: {  	_ =	shalt  }
0x67: {  	_ =	shalt  }
0x68: {  	_ =	shalt  }
0x69: {  	_ =	shalt  }
0x6a: {  	_ =	shalt  }
0x6b: {  	_ =	shalt  }
0x6c: {  	_ =	shalt  }
0x6d: {  	_ =	shalt  }
0x6e: {  	_ =	shalt  }
0x6f: {  	_ =	shalt  }
0x70: {  	_ =	shalt  }
0x71: {  	_ =	shalt  }
0x72: {  	_ =	shalt  }
0x73: {  	_ =	shalt  }
0x74: {  	_ =	shalt  }
0x75: {  	_ =	shalt  }
0x76: {  	_ =	shalt  }
0x77: {  	_ =	shalt  }
0x78: {  	_ =	shalt  }
0x79: {  	_ =	shalt  }
0x7a: {  	_ =	shalt  }
0x7b: {  	_ =	shalt  }
0x7c: {  	_ =	shalt  }
0x7d: {  	_ =	shalt  }
0x7e: {  	_ =	shalt  }
0x7f: {  	_ =	shalt  }
0x80: {  	_ =	shalt  }
0x81: {  	_ =	shalt  }
0x82: {  	_ =	shalt  }
0x83: {  	_ =	shalt  }
0x84: {  	_ =	shalt  }
0x85: {  	_ =	shalt  }
0x86: {  	_ =	shalt  }
0x87: {  	_ =	shalt  }
.Lfunc_end0:
.L_simem_size_0:
called_computation.3_lowered:
.L_overlay_start_0:
0x88: {  	s2 =	sld [smem:$0x3FD9]  }
0x89: {  	s3 =	sld [smem:$0x3FFE];
	_ =	sdelay $0x1  }
0x8a: {  	s1 =	srdreg.scid  }
0x8b: {  	s0 =	sand.u32 $0x1, s1  }
0x8c: {  	s16 =	sshll.u32 s0, $0xA;
	s2 =	sadd.s32 s3, s2  }
0x8d: {  	s2 =	sadd.s32 s2, s16  }
0x8e: {  	[smem:$0x3F83] =	sst s2  }
0x8f: {  	_ = 	snop  }
0x90: {  	(tm) =	ssettm $0x1  }
0x91: {  	s17 =	sld [smem:$0x3FFB];
	_ =	sdelay $0x3  }
0x92: {  	_ =	strace s17  }
0x93: {  	s2 =	sld [smem:$0x3FFC];
	_ =	sdelay $0x3  }
0x94: {  	_ =	strace s2  }
0x95: {  	s2 =	sld [smem:$0x3FFD];
	_ =	sdelay $0x3  }
0x96: {  	_ =	strace s2  }
0x97: {  	_ =	strace $0x8FFFFFFF  }
0x98: {  	s18 =	sld [smem:$0x3FDB];
	_ =	sdelay $0x1  }
0x99: {  	s19 =	simm.s32 $_scs_section_size  }
0x9a: {  	s4 =	simm.s32 $_size__tile_overlayer_lowered;
	s5 =	simm.s32 $_tile_overlayer_lowered  }
0x9b: {  	s22 =	simm.s32 $0x1BFF;
	s21 =	sshll.u32 s5, $0x1;
	s2 =	sadd.s32 s19, s18  }
0x9c: {  	s6 =	simm.s32 $0x0;
	s20 =	sshll.u32 s4, $0x1;
	s4 =	sadd.s32 s21, s2  }
0x9d: {  	[timem:s6], [sflag:s22] =	dma.local [hbm:s4], s20  }
0x9e: {  	_ =	swait.ge [sflag:s22], s20  }
0x9f: {  	s3 =	ssub.s32 $0x0, s20;
	[sflag:s22] =	ssyncset.done $0x0  }
0xa0: {  	[sflag:s22] =	ssyncadd.s32 s3;
	_ =	sdelay $0x1  }
0xa1: {  	s23 =	simm.s32 $0x1B8B  }
0xa2: {  	_ =	swait.ge [sflag:s23], $0x1  }
0xa3: {  	[sflag:s23] =	ssyncset.done $0x0  }
0xa4: {  	s25 =	simm.s32 $0x1B8E;
	s24 =	sld [smem:$0x3FFE];
	[sflag:s23] =	ssyncadd.s32 $0xFFFFFFFF  }
0xa5: {  	s26 =	simm.s32 $execute0_lowered;
	[smem:$0x3FD2] =	sst s25  }
0xa6: {  	s4 =	sshll.u32 s26, $0x1;
	_ =	strace $0x80000049;
	[dreg:$0x1] =	wrdreg $0xFFFFFFFF  }
0xa7: {  	s28 =	simm.s32 $_size_execute0_lowered;
	s2 =	sadd.s32 s2, s4;
	[dreg:$0x0] =	wrdreg $0x0  }
0xa8: {  	s4 =	sshll.u32 s28, $0x1;
	[dreg:$0x2] =	wrdreg s2  }
0xa9: {  	[dreg:$0x3] =	wrdreg s4  }
0xaa: {  	[dreg:$0x4] =	wrdreg $0xC0  }
0xab: {  	_ =	task [dreg:s6], $0x5FFFF  }
0xac: {  	[dreg:$0x1] =	wrdreg $0xFFFFFFFF  }
0xad: {  	[dreg:$0x0] =	wrdreg $0x60  }
0xae: {  	[dreg:$0x2] =	wrdreg s24  }
0xaf: {  	[dreg:$0x3] =	wrdreg $0xB  }
0xb0: {  	_ =	task.clear_ibuf [dreg:s6], $0x4FFFF;
	_ =	strace $0x90000049  }
0xb1: {  	s29 =	simm.s32 $0xB;
	_ =	strace $0x8000004B  }
0xb2: {  	_ =	swait.ge [sflag:s29], $0x1  }
0xb3: {  	[sflag:s29] =	ssyncadd.s32 $0xFFFFFFFF  }
0xb4: {  	_ =	strace $0x9000004B  }
0xb5: {  	_ =	sfence  }
0xb6: {  	s30 =	sld [smem:$0x0];
	_ =	sdelay $0x2  }
0xb7: {  	s31 =	sshll.u32 s1, $0xD;
	s1 =	sshrl.u32 s1, $0x2  }
0xb8: {  	s3 =	sand.u32 $0x4000, s31;
	s1 =	sadd.s32 s1, s30  }
0xb9: {  	s0 =	sor.u32 s3, s0;
	s1 =	sshll.u32 s1, $0x11  }
0xba: {  	s0 =	sor.u32 s1, s0  }
0xbb: {  	s0 =	sadd.s32 $0x8F2B, s0  }
0xbc: {  	[sflag:s0] =	ssyncadd.remote.s32 $0x1  }
0xbd: {  	_ =	sfence.sel $0xFFFF  }
0xbe: {  	[dreg:$0x0] =	wrdreg $0xFFFFFFFF;
	(pc) =	sbr.abs _section_cstart, $3  }
0xbf: {  	[dreg:$0x1] =	wrdreg $0xFFFFFFFF  }
0xc0: {  	_ =	task.clear_ibuf [dreg:s6], $0x2FFFF;
	_ =	strace $0x9FFFFFFF  }
0xc1: {  	(tm) =	ssettm $0x7FFFFFFF  }
tec
execute0_lowered:
.L_overlay_start_1:
0x0: {  	(tag) =	ssettag $0x1  }
0x1: {  	s7 =	rddreg [dreg:$0x0]  }
0x2: {  	s0 =	rddreg [dreg:$0x1];
	_ =	strace $0x8000004A  }
0x3: {  	s1 =	srdreg.scid;
	s4 =	simm.s32 $0x1;
	s9 =	simm.s32 $0x3  }
0x4: {  	s12 =	simm.s32 $0x0;
	s10 =	simm.s32 $0x0;
	s5 =	sshll.u32 s1, $0x4  }
.Ltmp0:
0x5: {  	s1 =	stileid.u32;
	s5 =	sand.u32 $0x10, s5;
	(pc) =	sbr.rel .LBB2_1-.Ltmp0, $4  }
0x6: {  	s2 =	sadd.s32 $0x41200, s7;
	s3 =	sadd.s32 $0x40A00, s7;
	s6 =	sor.u32 s1, s5  }
0x7: {  	[sflag:s4] =	ssyncpa.u1 $0x0;
	s5 =	simm.s32 $0x2;
	s6 =	sshll.u32 s6, $0x7  }
0x8: {  	s7 =	sadd.s32 $0x61200, s7;
	[sflag:s5] =	ssyncpa.u1 $0x0;
	s8 =	sadd.s32 $0x80, s6  }
0x9: {  	vm0 =	vmmov $0xff;
	vm1 =	vcmask $0x3F20;
	[sflag:s9] =	ssyncpa.u1 $0x0;
	s9 =	simm.s32 $0x80;
	s11 =	smov.u32 s6  }
.LBB2_9:
0xa: {  	p0 =	seq.s32 s10, $0x2  }
.Ltmp1:
0xb: {  	_ = 	snop;
	(pc) =	sbr.rel @p0 .LBB2_11-.Ltmp1, $1  }
0xc: {  	_ =	sdelay $0x3  }
.LBB2_10:
0xd: {  	s12 =	sadd.s32 $0x80, s11  }
0xe: {  	s13 =	smov.u32 s6;
	p0 =	slt.s32 s12, s8  }
0xf: {  	s13 =	smov.u32 @p0 s12  }
0x10: {  	s10 =	sadd.s32 $0x1, s10;
	s12 =	smov.u32 s11;
	s11 =	smov.u32 s13  }
.LBB2_1:
0x11: {  	p0 =	sne.s32 s10, $0x0  }
.Ltmp2:
0x12: {  	_ = 	snop;
	(pc) =	sbr.rel @!p0 .LBB2_2-.Ltmp2, $1  }
0x13: {  	_ =	sdelay $0x3  }
0x14: {  	s13 =	sand.u32 $0x1, s10  }
0x15: {  	p0 =	seq.s32 s13, $0x0  }
.Ltmp3:
0x16: {  	_ = 	snop;
	(pc) =	sbr.rel @p0 .LBB2_9-.Ltmp3, $1  }
0x17: {  	_ =	sdelay $0x3  }
0x18: {  	_ =	swait.ge [sflag:s5], $0x80  }
0x19: {  	[sflag:s5] =	ssyncset.done $0x0  }
0x1a: {  	s13 =	simm.s32 $0x0;
	[sflag:s5] =	ssyncadd.s32 $0xFFFFFF80  }
0x1b: {  	v0 =	vld.msk [tilespmem:s13+$0x80 ss:$0x1], $0xffff;
	_ =	sdelay $0x4  }
0x1c: {  	v1 =	vshll.u32 v0, $0x4  }
0x1d: {  	vm2 =	veq.s32 v0, $0x80000000;
	v0 =	vshll.u32 v0, $0x11;
	v1 =	vand.u32 $0x1FF80, v1  }
0x1e: {  	v0 =	vand.u32 $0xE0000, v0;
	v1 =	vsel vm2, $0xFFFFFF80, v1  }
0x1f: {  	v0 =	vsel vm2, $0xFFFE0000, v0;
	v2 =	vand.u32 $0xFFFFFC00, v1  }
0x20: {  	v1 =	vand.u32 $0x380, v1;
	v0 =	vadd.s32 v0, v2  }
0x21: {  	v0 =	vor.u32 v1, v0  }
0x22: {  	v0 =	vshrl.u32 v0, $0x3;
	_ =	sdelay $0x3  }
0x23: {  	s13 =	simm.s32 $0x4100  }
0x24: {  	[tilespmem:s13], [sflag:$0x1] =	stream.indirect_vreg.gather [hbm:s2], $0x80, v0, vm0, $0x38;
	[tilespmem:$0x8100] =	vst v63  }
0x25: {  	s14 =	simm.s32 $0x4500;
	s31 =	simm.s32 $0x10  }
0x26: {  	[tilespmem:s14], [sflag:$0x1] =	stream.indirect_vreg.gather [hbm:s2], $0x80, v0, vm1, $0x38;
	[tilespmem:$0x8100] =	vst v63  }
0x27: {  	s14 =	simm.s32 $0x80;
	v0 =	vld.msk [tilespmem:s31+$0x80 ss:$0x1], $0xffff  }
.LBB2_5:
0x28: {  	p0 =	sne.s32 s14, $0x1C0;
	_ =	sdelay $0x4  }
0x29: {  	v1 =	vshll.u32 v0, $0x4  }
0x2a: {  	vm2 =	veq.s32 v0, $0x80000000;
	v0 =	vshll.u32 v0, $0x11;
	v1 =	vand.u32 $0x1FF80, v1  }
0x2b: {  	v0 =	vand.u32 $0xE0000, v0;
	v1 =	vsel vm2, $0xFFFFFF80, v1  }
0x2c: {  	v0 =	vsel vm2, $0xFFFE0000, v0;
	v2 =	vand.u32 $0xFFFFFC00, v1  }
0x2d: {  	v1 =	vand.u32 $0x380, v1;
	v0 =	vadd.s32 v0, v2  }
0x2e: {  	v0 =	vor.u32 v1, v0  }
0x2f: {  	v0 =	vshrl.u32 v0, $0x3;
	_ =	sdelay $0x3  }
.Ltmp4:
0x30: {  	s13 =	sadd.s32 $0x800, s13;
	(pc) =	sbr.rel @p0 .LBB2_5-.Ltmp4, $4  }
0x31: {  	[tilespmem:s13], [sflag:$0x1] =	stream.indirect_vreg.gather [hbm:s2], $0x80, v0, vm0, $0x38;
	[tilespmem:$0x8100] =	vst v63  }
0x32: {  	s15 =	sshra.s32 s14, $0x2;
	s16 =	sadd.s32 $0x400, s13  }
0x33: {  	[tilespmem:s16], [sflag:$0x1] =	stream.indirect_vreg.gather [hbm:s2], $0x80, v0, vm1, $0x38;
	[tilespmem:$0x8100] =	vst v63  }
0x34: {  	s14 =	sadd.s32 $0x40, s14;
	v0 =	vld.msk [tilespmem:s15+$0x80 ss:$0x1], $0xffff  }
0x35: {  	_ =	sdelay $0x3  }
0x36: {  	v1 =	vshll.u32 v0, $0x4  }
0x37: {  	vm2 =	veq.s32 v0, $0x80000000;
	v63 =	vshll.u32 v0, $0x11;
	v1 =	vand.u32 $0x1FF80, v1  }
0x38: {  	v0 =	vand.u32 $0xE0000, v63;
	v1 =	vsel vm2, $0xFFFFFF80, v1  }
0x39: {  	v0 =	vsel vm2, $0xFFFE0000, v0;
	v2 =	vand.u32 $0xFFFFFC00, v1  }
0x3a: {  	v1 =	vand.u32 $0x380, v1;
	v0 =	vadd.s32 v0, v2  }
0x3b: {  	v0 =	vor.u32 v1, v0  }
0x3c: {  	v0 =	vshrl.u32 v0, $0x3;
	_ =	sdelay $0x3  }
0x3d: {  	s13 =	sadd.s32 $0x800, s13  }
0x3e: {  	[tilespmem:s13], [sflag:$0x1] =	stream.indirect_vreg.gather [hbm:s2], $0x80, v0, vm0, $0x38;
	[tilespmem:$0x8100] =	vst v63  }
0x3f: {  	s13 =	sadd.s32 $0x400, s13  }
0x40: {  	[tilespmem:s13], [sflag:$0x1] =	stream.indirect_vreg.gather [hbm:s2], $0x80, v0, vm1, $0x38;
	[tilespmem:$0x8100] =	vst v63  }
0x41: {  	s12 =	sshll.u32 s12, $0x4;
	s14 =	simm.s32 $0x80;
	_ =	swait.ge [sflag:s4], $0x4000  }
0x42: {  	s15 =	simm.s32 $0x4500;
	s12 =	sadd.s32 s12, s7;
	[sflag:s4] =	ssyncset.done $0x0  }
0x43: {  	s16 =	sadd.s32 $0x0, s12;
	s13 =	simm.s32 $0x4100;
	[sflag:s4] =	ssyncadd.s32 $0xFFFFC000  }
.LBB2_7:
0x44: {  	[hbm:s16] =	stream.linear.scatter [tilespmem:s13], [sflag:$0x3], $0x400, $0x38;
	[tilespmem:$0x8100] =	vst v63  }
0x45: {  	s16 =	smov.u32 s14;
	s13 =	smov.u32 s15;
	p0 =	sne.s32 s14, $0x780  }
.Ltmp5:
0x46: {  	s14 =	sadd.s32 $0x80, s14;
	(pc) =	sbr.rel @p0 .LBB2_7-.Ltmp5, $2  }
0x47: {  	_ =	sdelay $0x2  }
0x48: {  	s15 =	sadd.s32 $0x400, s15;
	s16 =	sadd.s32 s16, s12  }
.Ltmp6:
0x49: {  	(pc) =	sbr.rel .LBB2_9-.Ltmp6, $2  }
0x4a: {  	_ =	sdelay $0x2  }
0x4b: {  	[hbm:s16] =	stream.linear.scatter [tilespmem:s13], [sflag:$0x3], $0x400, $0x38;
	[tilespmem:$0x8100] =	vst v63  }
.LBB2_2:
.Ltmp7:
0x4c: {  	(pc) =	sbr.rel .LBB2_10-.Ltmp7, $4  }
0x4d: {  	_ = 	snop  }
0x4e: {  	s12 =	sshrl.u32 s11, $0x3  }
0x4f: {  	s13 =	sand.u32 $0x7, s11;
	s12 =	sadd.s32 s3, s12  }
0x50: {  	[tilespmem:s9], [sflag:$0x2] =	stream.linear.gather [hbm4b:s12+s13], $0x80, $0x38;
	[tilespmem:$0x8100] =	vst v63  }
.LBB2_11:
0x51: {  	s2 =	simm.s32 $0x3  }
0x52: {  	_ =	swait.ge [sflag:s2], $0x4000  }
0x53: {  	[sflag:s2] =	ssyncset.done $0x0  }
0x54: {  	[sflag:s2] =	ssyncadd.s32 $0xFFFFC000  }
0x55: {  	_ =	sfence.sel $0x180000  }
0x56: {  	s3 =	simm.s32 $0x2;
	[bflag:$0x0] =	sbarrier.arrive $0xFFFF  }
0x57: {  	[sflag:s3] =	ssyncpa.u1 $0x1  }
0x58: {  	s31 =	simm.s32 $0x1;
	[sflag:s2] =	ssyncpa.u1 $0x1  }
0x59: {  	[sflag:s31] =	ssyncpa.u1 $0x1  }
0x5a: {  	p0 =	sne.s32 s1, $0x0;
	_ =	strace $0x9000004A  }
0x5b: {  	s0 =	sadd.s32 @!p0 $0x100000, s0;
	[bflag:$0x2] =	sbarrier.arrive $0xFFFF  }
0x5c: {  	[sflag:s0] =	ssyncadd.tile.s32 @!p0 $0x1;
	_ =	shalt  }
.Lfunc_end2:
_tile_overlayer_lowered:
.L_overlay_start_2:
0x5d: {  	(tag) =	ssettag $0x2  }
0x5e: {  	s0 =	rddreg [dreg:$0x0];
	s2 =	stileid.u32  }
0x5f: {  	s1 =	rddreg [dreg:$0x1];
	p0 =	sne.s32 s2, $0x0  }
0x60: {  	s3 =	rddreg [dreg:$0x2];
	[bflag:$0x3] =	sbarrier.arrive $0xFFFF;
	s2 =	simm.s32 @!p0 $0x1C01  }
0x61: {  	[timem:s3], [sflag:s2] =	dma.local @!p0 [hbm:s0], s1  }
0x62: {  	s0 =	simm.s32 @!p0 $0x1  }
0x63: {  	_ =	swait.ge @!p0 [sflag:s0], s1  }
0x64: {  	s1 =	ssub.s32 @!p0 $0x0, s1;
	[sflag:s0] =	ssyncset.done @!p0 $0x0  }
0x65: {  	[sflag:s0] =	ssyncadd.s32 @!p0 s1  }
0x66: {  	[bflag:$0x3] =	sbarrier.arrive $0xFFFF  }
0x67: {  	_ =	shalt  }

// kernel: gather_offload_async_start
scs
__scs_entry_jumppad:
0x0: {  	(pc) =	sbr.rel $0x88, $3  }
0x1: {  	(tag) =	ssettag $0x0;
	lr =	simm.s32 $0x1  }
0x2: {  	[smem:$0x3F5C] =	sst lr;
	_ =	strace $0xD0000000  }
0x3: {  	_ = 	snop  }
0x4: {  	_ = 	snop  }
0x5: {  	_ = 	snop  }
0x6: {  	_ = 	snop  }
0x7: {  	_ = 	snop  }
__scs_overlays_trampoline_lowered:
0x8: {  	[smem:$0x3F6B] =	sst s0  }
0x9: {  	[smem:$0x3F6C] =	sst s1  }
0xa: {  	[smem:$0x3F6D] =	sst s2  }
0xb: {  	[smem:$0x3F6E] =	sst s3  }
0xc: {  	[smem:$0x3F6F] =	sst s4  }
0xd: {  	[smem:$0x3F70] =	sst s5  }
0xe: {  	[smem:$0x3F71] =	sst s6  }
0xf: {  	[smem:$0x3F72] =	sst s7  }
0x10: {  	[smem:$0x3F73] =	sst s8  }
0x11: {  	[smem:$0x3F74] =	sst s9;
	s0 =	simm.s32 @!p0 $0x0  }
0x12: {  	s1 =	sld [smem:$0x3F5A];
	s0 =	simm.s32 @p0 $0x1  }
0x13: {  	[smem:$0x3F75] =	sst s0;
	s0 =	simm.s32 @!p1 $0x0  }
0x14: {  	s2 =	sld [smem:$0x3F59];
	s0 =	simm.s32 @p1 $0x1  }
0x15: {  	[smem:$0x3F76] =	sst s0;
	s0 =	simm.s32 @!p2 $0x0  }
0x16: {  	s3 =	sld [smem:$0x3FDB];
	s0 =	simm.s32 @p2 $0x1  }
0x17: {  	s4 =	simm.s32 $0x1BF5;
	[smem:$0x3F78] =	sst s0  }
0x18: {  	s0 =	sld [smem:$0x3F5B];
	_ =	swait.ge [sflag:s4], $0x0  }
0x19: {  	s7 =	sld [smem:$0x3F5C]  }
0x1a: {  	s8 =	sadd.s32 $0xFFFFE003, lr  }
0x1b: {  	s9 =	sadd.s32 $0xFFFFFEF7, lr;
	s5 =	simm.s32 $0xFFFFFFFF;
	p2 =	slt.u32 s8, $0xFFFFF086  }
0x1c: {  	p1 =	slt.u32 s9, $0xF7A;
	s5 =	simm.s32 @!p2 $0x0  }
0x1d: {  	s5 =	simm.s32 @p1 $0x1;
	p0 =	seq.s32 s7, s2  }
0x1e: {  	s7 =	smul.u32 @!p0 $0xF7A, s2;
	p2 =	seq.s32 @!p0 s5, $0x0  }
0x1f: {  	s9 =	smul.u32 $0xF7A, s1;
	s8 =	simm.s32 @!p0 $0x1BF5;
	p2 =	por !p2, p0  }
0x20: {  	[sflag:s8] =	ssyncset.s32 @!p0 $0xFFFFF086;
	s6 =	sadd.s32 @!p0 s3, s7;
	s7 =	simm.s32 @!p0 $0x108  }
0x21: {  	s3 =	sadd.s32 s3, s9;
	s6 =	sadd.s32 @!p0 $0x88, s6;
	s7 =	simm.s32 @p2 $0x1082  }
0x22: {  	[simem:s7], [sflag:s8] =	dma.local @!p0 [hbm:s6], $0xF7A  }
0x23: {  	s9 =	sor.u32 $0xD0000000, s2;
	s6 =	simm.s32 $0x108;
	_ =	swait.ge @!p0 [sflag:s8], $0x0  }
0x24: {  	s3 =	sadd.s32 $0x88, s3;
	s6 =	simm.s32 @!p1 $0x1082;
	[sflag:s4] =	ssyncset.s32 $0xFFFFF086  }
0x25: {  	[simem:s6], [sflag:s4] =	dma.local [hbm:s3], $0xF7A  }
0x26: {  	[smem:$0x3F5C] =	sst s1;
	(tag) =	ssettag s2;
	_ =	strace s9  }
0x27: {  	s1 =	sld [smem:$0x3F6C]  }
0x28: {  	s2 =	sld [smem:$0x3F6D]  }
0x29: {  	s4 =	sld [smem:$0x3F6F]  }
0x2a: {  	p0 =	seq.s32 s5, $0x0;
	s5 =	sld [smem:$0x3F70]  }
0x2b: {  	s6 =	sld [smem:$0x3F71]  }
0x2c: {  	s7 =	sld [smem:$0x3F72]  }
0x2d: {  	s3 =	simm.s32 $0x108;
	s8 =	sld [smem:$0x3F73]  }
0x2e: {  	s3 =	simm.s32 @!p0 $0x1082;
	s9 =	sld [smem:$0x3F74]  }
0x2f: {  	lr =	sadd.s32 s0, s3;
	s0 =	sld [smem:$0x3F6B]  }
0x30: {  	s3 =	sld [smem:$0x3F6E]  }
0x31: {  	[smem:$0x3F77] =	sst s10  }
0x32: {  	s10 =	sld [smem:$0x3F75];
	_ =	sdelay $0x3  }
0x33: {  	p0 =	seq.s32 s10, $0x1;
	s10 =	sld [smem:$0x3F77];
	_ =	sdelay $0x3  }
0x34: {  	[smem:$0x3F77] =	sst s10  }
0x35: {  	s10 =	sld [smem:$0x3F76];
	_ =	sdelay $0x3  }
0x36: {  	p1 =	seq.s32 s10, $0x1;
	s10 =	sld [smem:$0x3F77];
	_ =	sdelay $0x3  }
0x37: {  	[smem:$0x3F77] =	sst s10  }
0x38: {  	s10 =	sld [smem:$0x3F78]  }
0x39: {  	_ = 	snop;
	(pc) =	sbr.ind lr, $3  }
0x3a: {  	_ = 	snop  }
0x3b: {  	_ = 	snop  }
0x3c: {  	p2 =	seq.s32 s10, $0x1;
	s10 =	sld [smem:$0x3F77]  }
0x3d: {  	_ =	shalt  }
0x3e: {  	_ =	shalt  }
0x3f: {  	_ =	shalt  }
0x40: {  	_ =	shalt  }
0x41: {  	_ =	shalt  }
0x42: {  	_ =	shalt  }
0x43: {  	_ =	shalt  }
0x44: {  	_ =	shalt  }
0x45: {  	_ =	shalt  }
0x46: {  	_ =	shalt  }
0x47: {  	_ =	shalt  }
0x48: {  	_ =	shalt  }
0x49: {  	_ =	shalt  }
0x4a: {  	_ =	shalt  }
0x4b: {  	_ =	shalt  }
0x4c: {  	_ =	shalt  }
0x4d: {  	_ =	shalt  }
0x4e: {  	_ =	shalt  }
0x4f: {  	_ =	shalt  }
0x50: {  	_ =	shalt  }
0x51: {  	_ =	shalt  }
0x52: {  	_ =	shalt  }
0x53: {  	_ =	shalt  }
0x54: {  	_ =	shalt  }
0x55: {  	_ =	shalt  }
0x56: {  	_ =	shalt  }
0x57: {  	_ =	shalt  }
0x58: {  	_ =	shalt  }
0x59: {  	_ =	shalt  }
0x5a: {  	_ =	shalt  }
0x5b: {  	_ =	shalt  }
0x5c: {  	_ =	shalt  }
0x5d: {  	_ =	shalt  }
0x5e: {  	_ =	shalt  }
0x5f: {  	_ =	shalt  }
0x60: {  	_ =	shalt  }
0x61: {  	_ =	shalt  }
0x62: {  	_ =	shalt  }
0x63: {  	_ =	shalt  }
0x64: {  	_ =	shalt  }
0x65: {  	_ =	shalt  }
0x66: {  	_ =	shalt  }
0x67: {  	_ =	shalt  }
0x68: {  	_ =	shalt  }
0x69: {  	_ =	shalt  }
0x6a: {  	_ =	shalt  }
0x6b: {  	_ =	shalt  }
0x6c: {  	_ =	shalt  }
0x6d: {  	_ =	shalt  }
0x6e: {  	_ =	shalt  }
0x6f: {  	_ =	shalt  }
0x70: {  	_ =	shalt  }
0x71: {  	_ =	shalt  }
0x72: {  	_ =	shalt  }
0x73: {  	_ =	shalt  }
0x74: {  	_ =	shalt  }
0x75: {  	_ =	shalt  }
0x76: {  	_ =	shalt  }
0x77: {  	_ =	shalt  }
0x78: {  	_ =	shalt  }
0x79: {  	_ =	shalt  }
0x7a: {  	_ =	shalt  }
0x7b: {  	_ =	shalt  }
0x7c: {  	_ =	shalt  }
0x7d: {  	_ =	shalt  }
0x7e: {  	_ =	shalt  }
0x7f: {  	_ =	shalt  }
0x80: {  	_ =	shalt  }
0x81: {  	_ =	shalt  }
0x82: {  	_ =	shalt  }
0x83: {  	_ =	shalt  }
0x84: {  	_ =	shalt  }
0x85: {  	_ =	shalt  }
0x86: {  	_ =	shalt  }
0x87: {  	_ =	shalt  }
.Lfunc_end0:
.L_simem_size_0:
called_computation.1_lowered:
.L_overlay_start_0:
0x88: {  	s2 =	sld [smem:$0x3FD9]  }
0x89: {  	s3 =	sld [smem:$0x3FFE];
	_ =	sdelay $0x1  }
0x8a: {  	s1 =	srdreg.scid  }
0x8b: {  	s0 =	sand.u32 $0x1, s1  }
0x8c: {  	s17 =	sshll.u32 s0, $0xA;
	s2 =	sadd.s32 s3, s2  }
0x8d: {  	s2 =	sadd.s32 s2, s17  }
0x8e: {  	[smem:$0x3F83] =	sst s2  }
0x8f: {  	_ = 	snop  }
0x90: {  	s2 =	sld [smem:$0x3FD0];
	(tm) =	ssettm $0x1  }
0x91: {  	s18 =	sld [smem:$0x3FFB];
	_ =	sdelay $0x3  }
0x92: {  	_ =	strace s18  }
0x93: {  	s3 =	sld [smem:$0x3FFC];
	_ =	sdelay $0x3  }
0x94: {  	_ =	strace s3  }
0x95: {  	s3 =	sld [smem:$0x3FFD];
	_ =	sdelay $0x3  }
0x96: {  	_ =	strace s3  }
0x97: {  	_ =	strace $0x8FFFFFFF  }
0x98: {  	s19 =	sld [smem:$0x3FDB];
	_ =	sdelay $0x1  }
0x99: {  	s4 =	simm.s32 $_scs_section_size  }
0x9a: {  	s5 =	simm.s32 $_size__tile_overlayer_lowered;
	s6 =	simm.s32 $_tile_overlayer_lowered  }
0x9b: {  	s22 =	simm.s32 $0x1BFF;
	s21 =	sshll.u32 s6, $0x1;
	s3 =	sadd.s32 s4, s19  }
0x9c: {  	s7 =	simm.s32 $0x0;
	s20 =	sshll.u32 s5, $0x1;
	s5 =	sadd.s32 s21, s3  }
0x9d: {  	[timem:s7], [sflag:s22] =	dma.local [hbm:s5], s20  }
0x9e: {  	_ =	swait.ge [sflag:s22], s20  }
0x9f: {  	s4 =	ssub.s32 $0x0, s20;
	[sflag:s22] =	ssyncset.done $0x0  }
0xa0: {  	[sflag:s22] =	ssyncadd.s32 s4;
	_ =	sdelay $0x1  }
0xa1: {  	s23 =	simm.s32 $0x1B8B  }
0xa2: {  	_ =	swait.ge [sflag:s23], $0x1  }
0xa3: {  	[sflag:s23] =	ssyncset.done $0x0  }
0xa4: {  	s25 =	simm.s32 $0x1B8E;
	s24 =	sld [smem:$0x3FFE];
	[sflag:s23] =	ssyncadd.s32 $0xFFFFFFFF  }
0xa5: {  	s26 =	simm.s32 $execute0_lowered;
	[smem:$0x3FD2] =	sst s25  }
0xa6: {  	s5 =	sshll.u32 s26, $0x1;
	_ =	strace $0x80000046;
	[dreg:$0x1] =	wrdreg $0xFFFFFFFF  }
0xa7: {  	s28 =	simm.s32 $_size_execute0_lowered;
	s3 =	sadd.s32 s3, s5;
	[dreg:$0x0] =	wrdreg $0x0  }
0xa8: {  	s5 =	sshll.u32 s28, $0x1;
	[dreg:$0x2] =	wrdreg s3  }
0xa9: {  	[dreg:$0x3] =	wrdreg s5  }
0xaa: {  	[dreg:$0x4] =	wrdreg $0xC0  }
0xab: {  	_ =	task [dreg:s7], $0x5FFFF  }
0xac: {  	[dreg:$0x1] =	wrdreg $0xFFFFFFFF  }
0xad: {  	[dreg:$0x0] =	wrdreg $0x60  }
0xae: {  	[dreg:$0x2] =	wrdreg s24  }
0xaf: {  	[dreg:$0x3] =	wrdreg s2  }
0xb0: {  	[dreg:$0x4] =	wrdreg $0x9  }
0xb1: {  	_ =	task.clear_ibuf [dreg:s7], $0x5FFFF;
	_ =	strace $0x90000046  }
0xb2: {  	s29 =	simm.s32 $0x9;
	_ =	strace $0x80000048  }
0xb3: {  	_ =	swait.ge [sflag:s29], $0x1  }
0xb4: {  	[sflag:s29] =	ssyncadd.s32 $0xFFFFFFFF  }
0xb5: {  	_ =	strace $0x90000048  }
0xb6: {  	_ =	sfence  }
0xb7: {  	s30 =	sld [smem:$0x0];
	_ =	sdelay $0x2  }
0xb8: {  	s31 =	sshll.u32 s1, $0xD;
	s1 =	sshrl.u32 s1, $0x2  }
0xb9: {  	s3 =	sand.u32 $0x4000, s31;
	s1 =	sadd.s32 s1, s30  }
0xba: {  	s0 =	sor.u32 s3, s0;
	s1 =	sshll.u32 s1, $0x11  }
0xbb: {  	s0 =	sor.u32 s1, s0  }
0xbc: {  	s0 =	sadd.s32 $0x8F2B, s0  }
0xbd: {  	[sflag:s0] =	ssyncadd.remote.s32 $0x1  }
0xbe: {  	_ =	sfence.sel $0xFFFF  }
0xbf: {  	[dreg:$0x0] =	wrdreg $0xFFFFFFFF;
	(pc) =	sbr.abs _section_cstart, $3  }
0xc0: {  	[dreg:$0x1] =	wrdreg $0xFFFFFFFF  }
0xc1: {  	_ =	task.clear_ibuf [dreg:s7], $0x2FFFF;
	_ =	strace $0x9FFFFFFF  }
0xc2: {  	(tm) =	ssettm $0x7FFFFFFF  }
0xc3: {  	_ =	shalt  }
tec
execute0_lowered:
.L_overlay_start_1:
0x0: {  	(tag) =	ssettag $0x1  }
0x1: {  	s2 =	rddreg [dreg:$0x0]  }
0x2: {  	s3 =	rddreg [dreg:$0x1]  }
0x3: {  	s0 =	rddreg [dreg:$0x2];
	s1 =	srdreg.scid;
	_ =	strace $0x80000047  }
0x4: {  	s4 =	simm.s32 $0x1;
	s9 =	simm.s32 $0x3;
	s5 =	sshll.u32 s1, $0x4  }
.Ltmp0:
0x5: {  	s1 =	stileid.u32;
	s5 =	sand.u32 $0x10, s5;
	(pc) =	sbr.rel .LBB2_1-.Ltmp0, $4  }
0x6: {  	s12 =	simm.s32 $0x0;
	s10 =	simm.s32 $0x0;
	s6 =	sor.u32 s1, s5  }
0x7: {  	[sflag:s4] =	ssyncpa.u1 $0x0;
	s5 =	simm.s32 $0x2;
	s6 =	sshll.u32 s6, $0x8  }
0x8: {  	s7 =	sadd.s32 $0x41200, s2;
	[sflag:s5] =	ssyncpa.u1 $0x0;
	s8 =	sadd.s32 $0x100, s6  }
0x9: {  	vm0 =	vmmov $0xff;
	vm1 =	vcmask $0x3F20;
	[sflag:s9] =	ssyncpa.u1 $0x0;
	s9 =	simm.s32 $0x100;
	s11 =	smov.u32 s6  }
.LBB2_9:
0xa: {  	p0 =	seq.s32 s10, $0x2  }
.Ltmp1:
0xb: {  	_ = 	snop;
	(pc) =	sbr.rel @p0 .LBB2_11-.Ltmp1, $1  }
0xc: {  	_ =	sdelay $0x3  }
.LBB2_10:
0xd: {  	s12 =	sadd.s32 $0x100, s11  }
0xe: {  	s13 =	smov.u32 s6;
	p0 =	slt.s32 s12, s8  }
0xf: {  	s13 =	smov.u32 @p0 s12  }
0x10: {  	s10 =	sadd.s32 $0x1, s10;
	s12 =	smov.u32 s11;
	s11 =	smov.u32 s13  }
.LBB2_1:
0x11: {  	p0 =	sne.s32 s10, $0x0  }
.Ltmp2:
0x12: {  	_ = 	snop;
	(pc) =	sbr.rel @!p0 .LBB2_2-.Ltmp2, $1  }
0x13: {  	_ =	sdelay $0x3  }
0x14: {  	s13 =	sand.u32 $0x1, s10  }
0x15: {  	p0 =	seq.s32 s13, $0x0  }
.Ltmp3:
0x16: {  	_ = 	snop;
	(pc) =	sbr.rel @p0 .LBB2_9-.Ltmp3, $1  }
0x17: {  	_ =	sdelay $0x3  }
0x18: {  	_ =	swait.ge [sflag:s5], $0x100  }
0x19: {  	[sflag:s5] =	ssyncset.done $0x0  }
0x1a: {  	s13 =	simm.s32 $0x0;
	[sflag:s5] =	ssyncadd.s32 $0xFFFFFF00  }
0x1b: {  	v0 =	vld.msk [tilespmem:s13+$0x100 ss:$0x1], $0xffff;
	_ =	sdelay $0x4  }
0x1c: {  	v1 =	vshll.u32 v0, $0x4  }
0x1d: {  	vm2 =	veq.s32 v0, $0x80000000;
	v0 =	vshll.u32 v0, $0x12;
	v1 =	vand.u32 $0x3FF80, v1  }
0x1e: {  	v0 =	vand.u32 $0x1C0000, v0;
	v1 =	vsel vm2, $0xFFFFFF80, v1  }
0x1f: {  	v0 =	vsel vm2, $0xFFFC0000, v0;
	v2 =	vand.u32 $0xFFFFFC00, v1  }
0x20: {  	v1 =	vand.u32 $0x380, v1;
	v0 =	vadd.s32 v0, v2  }
0x21: {  	v0 =	vor.u32 v1, v0  }
0x22: {  	v0 =	vshrl.u32 v0, $0x3;
	_ =	sdelay $0x3  }
0x23: {  	s13 =	simm.s32 $0x8200  }
0x24: {  	[tilespmem:s13], [sflag:$0x1] =	stream.indirect_vreg.gather [hbm:s2], $0x80, v0, vm0, $0x38;
	[tilespmem:$0x10200] =	vst v63  }
0x25: {  	s14 =	simm.s32 $0x8600;
	s31 =	simm.s32 $0x10  }
0x26: {  	[tilespmem:s14], [sflag:$0x1] =	stream.indirect_vreg.gather [hbm:s2], $0x80, v0, vm1, $0x38;
	[tilespmem:$0x10200] =	vst v63  }
0x27: {  	s14 =	simm.s32 $0x80;
	v0 =	vld.msk [tilespmem:s31+$0x100 ss:$0x1], $0xffff  }
.LBB2_5:
0x28: {  	p0 =	sne.s32 s14, $0x3C0;
	_ =	sdelay $0x4  }
0x29: {  	v1 =	vshll.u32 v0, $0x4  }
0x2a: {  	vm2 =	veq.s32 v0, $0x80000000;
	v0 =	vshll.u32 v0, $0x12;
	v1 =	vand.u32 $0x3FF80, v1  }
0x2b: {  	v0 =	vand.u32 $0x1C0000, v0;
	v1 =	vsel vm2, $0xFFFFFF80, v1  }
0x2c: {  	v0 =	vsel vm2, $0xFFFC0000, v0;
	v2 =	vand.u32 $0xFFFFFC00, v1  }
0x2d: {  	v1 =	vand.u32 $0x380, v1;
	v0 =	vadd.s32 v0, v2  }
0x2e: {  	v0 =	vor.u32 v1, v0  }
0x2f: {  	v0 =	vshrl.u32 v0, $0x3;
	_ =	sdelay $0x3  }
.Ltmp4:
0x30: {  	s13 =	sadd.s32 $0x800, s13;
	(pc) =	sbr.rel @p0 .LBB2_5-.Ltmp4, $4  }
0x31: {  	[tilespmem:s13], [sflag:$0x1] =	stream.indirect_vreg.gather [hbm:s2], $0x80, v0, vm0, $0x38;
	[tilespmem:$0x10200] =	vst v63  }
0x32: {  	s15 =	sshra.s32 s14, $0x2;
	s16 =	sadd.s32 $0x400, s13  }
0x33: {  	[tilespmem:s16], [sflag:$0x1] =	stream.indirect_vreg.gather [hbm:s2], $0x80, v0, vm1, $0x38;
	[tilespmem:$0x10200] =	vst v63  }
0x34: {  	s14 =	sadd.s32 $0x40, s14;
	v0 =	vld.msk [tilespmem:s15+$0x100 ss:$0x1], $0xffff  }
0x35: {  	_ =	sdelay $0x3  }
0x36: {  	v1 =	vshll.u32 v0, $0x4  }
0x37: {  	vm2 =	veq.s32 v0, $0x80000000;
	v63 =	vshll.u32 v0, $0x12;
	v1 =	vand.u32 $0x3FF80, v1  }
0x38: {  	v0 =	vand.u32 $0x1C0000, v63;
	v1 =	vsel vm2, $0xFFFFFF80, v1  }
0x39: {  	v0 =	vsel vm2, $0xFFFC0000, v0;
	v2 =	vand.u32 $0xFFFFFC00, v1  }
0x3a: {  	v1 =	vand.u32 $0x380, v1;
	v0 =	vadd.s32 v0, v2  }
0x3b: {  	v0 =	vor.u32 v1, v0  }
0x3c: {  	v0 =	vshrl.u32 v0, $0x3;
	_ =	sdelay $0x3  }
0x3d: {  	s13 =	sadd.s32 $0x800, s13  }
0x3e: {  	[tilespmem:s13], [sflag:$0x1] =	stream.indirect_vreg.gather [hbm:s2], $0x80, v0, vm0, $0x38;
	[tilespmem:$0x10200] =	vst v63  }
0x3f: {  	s13 =	sadd.s32 $0x400, s13  }
0x40: {  	[tilespmem:s13], [sflag:$0x1] =	stream.indirect_vreg.gather [hbm:s2], $0x80, v0, vm1, $0x38;
	[tilespmem:$0x10200] =	vst v63  }
0x41: {  	s12 =	sshll.u32 s12, $0x4;
	s14 =	simm.s32 $0x80;
	_ =	swait.ge [sflag:s4], $0x8000  }
0x42: {  	s15 =	simm.s32 $0x8600;
	s12 =	sadd.s32 s12, s7;
	[sflag:s4] =	ssyncset.done $0x0  }
0x43: {  	s16 =	sadd.s32 $0x0, s12;
	s13 =	simm.s32 $0x8200;
	[sflag:s4] =	ssyncadd.s32 $0xFFFF8000  }
.LBB2_7:
0x44: {  	[hbm:s16] =	stream.linear.scatter [tilespmem:s13], [sflag:$0x3], $0x400, $0x38;
	[tilespmem:$0x10200] =	vst v63  }
0x45: {  	s16 =	smov.u32 s14;
	s13 =	smov.u32 s15;
	p0 =	sne.s32 s14, $0xF80  }
.Ltmp5:
0x46: {  	s14 =	sadd.s32 $0x80, s14;
	(pc) =	sbr.rel @p0 .LBB2_7-.Ltmp5, $2  }
0x47: {  	_ =	sdelay $0x2  }
0x48: {  	s15 =	sadd.s32 $0x400, s15;
	s16 =	sadd.s32 s16, s12  }
.Ltmp6:
0x49: {  	(pc) =	sbr.rel .LBB2_9-.Ltmp6, $2  }
0x4a: {  	_ =	sdelay $0x2  }
0x4b: {  	[hbm:s16] =	stream.linear.scatter [tilespmem:s13], [sflag:$0x3], $0x400, $0x38;
	[tilespmem:$0x10200] =	vst v63  }
.LBB2_2:
.Ltmp7:
0x4c: {  	(pc) =	sbr.rel .LBB2_10-.Ltmp7, $4  }
0x4d: {  	_ = 	snop  }
0x4e: {  	s12 =	sshrl.u32 s11, $0x3  }
0x4f: {  	s13 =	sand.u32 $0x7, s11;
	s12 =	sadd.s32 s3, s12  }
0x50: {  	[tilespmem:s9], [sflag:$0x2] =	stream.linear.gather [hbm4b:s12+s13], $0x100, $0x38;
	[tilespmem:$0x10200] =	vst v63  }
.LBB2_11:
0x51: {  	s2 =	simm.s32 $0x3  }
0x52: {  	_ =	swait.ge [sflag:s2], $0x8000  }
0x53: {  	[sflag:s2] =	ssyncset.done $0x0  }
0x54: {  	[sflag:s2] =	ssyncadd.s32 $0xFFFF8000  }
0x55: {  	_ =	sfence.sel $0x180000  }
0x56: {  	s3 =	simm.s32 $0x2;
	[bflag:$0x0] =	sbarrier.arrive $0xFFFF  }
0x57: {  	[sflag:s3] =	ssyncpa.u1 $0x1  }
0x58: {  	s31 =	simm.s32 $0x1;
	[sflag:s2] =	ssyncpa.u1 $0x1  }
0x59: {  	[sflag:s31] =	ssyncpa.u1 $0x1  }
0x5a: {  	p0 =	sne.s32 s1, $0x0;
	_ =	strace $0x90000047  }
0x5b: {  	s0 =	sadd.s32 @!p0 $0x100000, s0;
	[bflag:$0x2] =	sbarrier.arrive $0xFFFF  }
0x5c: {  	[sflag:s0] =	ssyncadd.tile.s32 @!p0 $0x1;
	_ =	shalt  }
.Lfunc_end2:
_tile_overlayer_lowered:
.L_overlay_start_2:
0x5d: {  	(tag) =	ssettag $0x2  }
0x5e: {  	s0 =	rddreg [dreg:$0x0];
	s2 =	stileid.u32  }
0x5f: {  	s1 =	rddreg [dreg:$0x1];
	p0 =	sne.s32 s2, $0x0  }
0x60: {  	s3 =	rddreg [dreg:$0x2];
	[bflag:$0x3] =	sbarrier.arrive $0xFFFF;
	s2 =	simm.s32 @!p0 $0x1C01  }
0x61: {  	[timem:s3], [sflag:s2] =	dma.local @!p0 [hbm:s0], s1  }
0x62: {  	s0 =	simm.s32 @!p0 $0x1  }
0x63: {  	_ =	swait.ge @!p0 [sflag:s0], s1  }
0x64: {  	s1 =	ssub.s32 @!p0 $0x0, s1;
	[sflag:s0] =	ssyncset.done @!p0 $0x0  }
0x65: {  	[sflag:s0] =	ssyncadd.s32 @!p0 s1  }
0x66: {  	[bflag:$0x3] =	sbarrier.arrive $0xFFFF  }
0x67: {  	_ =	shalt  }

// kernel: sparse-core-data-format-call.cloned.1.call-start
scs
called_computation_lowered:
.L_overlay_start_0:
0x0: {  	s2 =	sld [smem:$0x3FD9]  }
0x1: {  	s3 =	sld [smem:$0x3FFE];
	_ =	sdelay $0x1  }
0x2: {  	s1 =	srdreg.scid  }
0x3: {  	s0 =	sand.u32 $0x1, s1  }
0x4: {  	s18 =	sshll.u32 s0, $0xA;
	s2 =	sadd.s32 s3, s2  }
0x5: {  	s2 =	sadd.s32 s2, s18  }
0x6: {  	[smem:$0x3F83] =	sst s2  }
0x7: {  	_ = 	snop  }
0x8: {  	s19 =	sld [smem:$0x3FC2];
	(tm) =	ssettm $0x1  }
0x9: {  	s20 =	sld [smem:$0x3FFB];
	_ =	sdelay $0x3  }
0xa: {  	_ =	strace s20  }
0xb: {  	s2 =	sld [smem:$0x3FFC];
	_ =	sdelay $0x3  }
0xc: {  	_ =	strace s2  }
0xd: {  	s2 =	sld [smem:$0x3FFD];
	_ =	sdelay $0x3  }
0xe: {  	_ =	strace s2  }
0xf: {  	_ =	strace $0x8FFFFFFF  }
0x10: {  	s21 =	sld [smem:$0x3FDB];
	_ =	sdelay $0x1  }
0x11: {  	s4 =	simm.s32 $_scs_section_size  }
0x12: {  	s5 =	simm.s32 $_size__tile_overlayer_lowered;
	s6 =	simm.s32 $_tile_overlayer_lowered  }
0x13: {  	s7 =	simm.s32 $0x1BFF;
	s22 =	sshll.u32 s6, $0x1;
	s4 =	sadd.s32 s4, s21  }
0x14: {  	s23 =	simm.s32 $0x0;
	s5 =	sshll.u32 s5, $0x1;
	s6 =	sadd.s32 s22, s4  }
0x15: {  	[timem:s23], [sflag:s7] =	dma.local [hbm:s6], s5  }
0x16: {  	_ =	swait.ge [sflag:s7], s5  }
0x17: {  	s5 =	ssub.s32 $0x0, s5;
	[sflag:s7] =	ssyncset.done $0x0  }
0x18: {  	[sflag:s7] =	ssyncadd.s32 s5;
	_ =	sdelay $0x1  }
0x19: {  	s24 =	simm.s32 $0x1B8B  }
0x1a: {  	_ =	swait.ge [sflag:s24], $0x1  }
0x1b: {  	[sflag:s24] =	ssyncset.done $0x0  }
0x1c: {  	[sflag:s24] =	ssyncadd.s32 $0xFFFFFFFF  }
0x1d: {  	s5 =	sld [smem:$0x0]  }
0x1e: {  	s6 =	sand.u32 $0xFFFFFFFE, s1  }
0x1f: {  	p0 =	sne.s32 s1, s6  }
0x20: {  	s6 =	sshll.u32 @p0 s6, $0xE  }
0x21: {  	s6 =	sadd.s32 @p0 $0x11B8D, s6;
	s7 =	sshll.u32 @p0 s5, $0x11  }
0x22: {  	s6 =	sor.u32 @p0 s7, s6  }
0x23: {  	[sflag:s6] =	ssyncadd.remote.s32 @p0 $0x1;
	_ =	sdelay $0x1  }
0x24: {  	s6 =	simm.s32 @p0 $0x1B8D  }
0x25: {  	_ =	swait.eq @p0 [sflag:s6], $0x1  }
0x26: {  	[sflag:s6] =	ssyncadd.s32 @p0 $0xFFFFFFFF  }
0x27: {  	s7 =	sshll.u32 @!p0 s1, $0xE  }
0x28: {  	s7 =	sor.u32 @!p0 $0x4000, s7;
	s6 =	simm.s32 @!p0 $0x1B8D  }
0x29: {  	s5 =	sshll.u32 @!p0 s5, $0x11;
	s7 =	sadd.s32 @!p0 $0x11B8D, s7;
	_ =	swait.eq @!p0 [sflag:s6], $0x1  }
0x2a: {  	s5 =	sor.u32 @!p0 s5, s7;
	[sflag:s6] =	ssyncadd.s32 @!p0 $0xFFFFFFFF  }
0x2b: {  	s26 =	simm.s32 $0x1B8E;
	s25 =	sld [smem:$0x3FFE];
	[sflag:s5] =	ssyncadd.remote.s32 @!p0 $0x1  }
0x2c: {  	s27 =	simm.s32 $execute0_lowered;
	[smem:$0x3FD2] =	sst s26  }
0x2d: {  	s6 =	sshll.u32 s27, $0x1;
	_ =	strace $0x8000004F;
	[dreg:$0x1] =	wrdreg $0xFFFFFFFF  }
0x2e: {  	s28 =	simm.s32 $_size_execute0_lowered;
	s4 =	sadd.s32 s4, s6;
	[dreg:$0x0] =	wrdreg $0x0  }
0x2f: {  	s6 =	sshll.u32 s28, $0x1;
	[dreg:$0x2] =	wrdreg s4  }
0x30: {  	[dreg:$0x3] =	wrdreg s6  }
0x31: {  	[dreg:$0x4] =	wrdreg $0xC0  }
0x32: {  	_ =	task [dreg:s23], $0x5FFFF  }
0x33: {  	[dreg:$0x1] =	wrdreg $0xFFFFFFFF  }
0x34: {  	[dreg:$0x0] =	wrdreg $0x60  }
0x35: {  	[dreg:$0x2] =	wrdreg s19  }
0x36: {  	[dreg:$0x3] =	wrdreg s25  }
0x37: {  	[dreg:$0x4] =	wrdreg $0x9  }
0x38: {  	_ =	task.clear_ibuf [dreg:s23], $0x5FFFF;
	_ =	strace $0x9000004F  }
0x39: {  	s29 =	simm.s32 $0x9;
	_ =	strace $0x80000051  }
0x3a: {  	_ =	swait.ge [sflag:s29], $0x1  }
0x3b: {  	[sflag:s29] =	ssyncadd.s32 $0xFFFFFFFF  }
0x3c: {  	_ =	strace $0x90000051  }
0x3d: {  	_ =	sfence  }
0x3e: {  	s30 =	sld [smem:$0x0];
	_ =	sdelay $0x2  }
0x3f: {  	s31 =	sshll.u32 s1, $0xD;
	s1 =	sshrl.u32 s1, $0x2  }
0x40: {  	s4 =	sand.u32 $0x4000, s31;
	s1 =	sadd.s32 s1, s30  }
0x41: {  	s0 =	sor.u32 s4, s0;
	s1 =	sshll.u32 s1, $0x11  }
0x42: {  	s0 =	sor.u32 s1, s0  }
0x43: {  	s0 =	sadd.s32 $0x8F2B, s0  }
0x44: {  	[sflag:s0] =	ssyncadd.remote.s32 $0x1  }
0x45: {  	_ =	sfence.sel $0xFFFF  }
0x46: {  	[dreg:$0x0] =	wrdreg $0xFFFFFFFF;
	(pc) =	sbr.abs _section_cstart, $3  }
0x47: {  	[dreg:$0x1] =	wrdreg $0xFFFFFFFF  }
0x48: {  	_ =	task.clear_ibuf [dreg:s23], $0x2FFFF;
	_ =	strace $0x9FFFFFFF  }
0x49: {  	(tm) =	ssettm $0x7FFFFFFF  }
tec
execute0_lowered:
.L_overlay_start_1:
0x0: {  	(tag) =	ssettag $0x1  }
0x1: {  	s0 =	srdreg.scid  }
0x2: {  	s1 =	sshll.u32 s0, $0x4  }
0x3: {  	s0 =	stileid.u32;
	s1 =	sand.u32 $0x10, s1  }
0x4: {  	s3 =	rddreg [dreg:$0x0];
	s1 =	sor.u32 s0, s1  }
0x5: {  	s6 =	rddreg [dreg:$0x1];
	s2 =	sshll.u32 s1, $0x7  }
0x6: {  	s7 =	simm.s32 $0x2;
	s12 =	simm.s32 $0x0;
	s1 =	ssub.s32 $0x1800, s2  }
0x7: {  	s8 =	simm.s32 $0xC000;
	s13 =	simm.s32 $0x0;
	s4 =	sand.u32 $0xF80, s1  }
0x8: {  	s9 =	simm.s32 $0x0;
	p0 =	sne.s32 s4, $0x0;
	s4 =	simm.s32 $0x1  }
.Ltmp0:
0x9: {  	s5 =	sshrl.u32 s1, $0xC;
	s4 =	simm.s32 @!p0 $0x0;
	(pc) =	sbr.rel .LBB1_1-.Ltmp0, $4  }
0xa: {  	s11 =	simm.s32 $0x0;
	s1 =	rddreg [dreg:$0x2];
	s5 =	sadd.s32 s4, s5  }
0xb: {  	_ =	strace $0x80000050;
	s4 =	simm.s32 $0x1;
	s5 =	smul.u32 $0x30, s5  }
0xc: {  	s6 =	sadd.s32 $0x440E00, s6;
	s10 =	smov.u32 s2;
	[sflag:s4] =	ssyncpa.u1 $0x0  }
0xd: {  	p0 =	por $0x0, $0x0;
	[sflag:s7] =	ssyncpa.u1 $0x0;
	s7 =	sor.u32 $0x1, s5  }
.LBB1_4:
0xe: {  	s19 =	sshrl.u32 s12, $0x3  }
0xf: {  	s20 =	sshll.u32 s13, $0x3;
	s24 =	sshll.u32 s12, $0x7;
	s19 =	smul.u32 $0xC000, s19  }
0x10: {  	s25 =	sand.u32 $0x7F, s13;
	s20 =	sand.u32 $0xFFFFFC00, s20;
	s12 =	sand.u32 $0x380, s24  }
0x11: {  	v5 =	vld [tilespmem:s16+$0xFFFFFFD0];
	[tilespmem:s17+$0x2040 ss:$0x81] =	vst.msk $0xffff, v3;
	s12 =	sor.u32 s25, s12;
	s19 =	sadd.s32 s20, s19  }
0x12: {  	v58 =	vld [tilespmem:s16+$0xFFFFFFE0];
	[tilespmem:s17+$0x2850 ss:$0x81] =	vst.msk $0xffff, v4;
	s12 =	sor.u32 s19, s12;
	s26 =	smulhi.u32 $0xAAAAAAAB, s19  }
0x13: {  	s18 =	sshra.s32 s18, $0x2;
	v59 =	vld [tilespmem:s16+$0xFFFFFFF0];
	[tilespmem:s17+$0x3060 ss:$0x81] =	vst.msk $0xffff, v2;
	s27 =	smulhi.u32 $0xAAAAAAAB, s12  }
0x14: {  	v60 =	vld [tilespmem:s16+$0x0];
	[tilespmem:s17+$0x0 ss:$0x81] =	vst.msk $0xffff, v0;
	s15 =	sadd.s32 s18, s15;
	s13 =	sshrl.u32 s26, $0xC  }
0x15: {  	v61 =	vld [tilespmem:s16+$0x10];
	[tilespmem:s15+$0x3870 ss:$0x81] =	vst.msk $0xffff, v1;
	s28 =	sshrl.u32 s27, $0xC;
	s29 =	smulhi.u32 $0xAAAAB, s13  }
0x16: {  	v62 =	vld [tilespmem:s16+$0x20];
	[tilespmem:s15+$0x810 ss:$0x81] =	vst.msk $0xffff, v5;
	s17 =	smul.u32 $0x1800, s28  }
0x17: {  	v63 =	vld [tilespmem:s16+$0xFFFFFFC0];
	[tilespmem:s15+$0x1020 ss:$0x81] =	vst.msk $0xffff, v58;
	s30 =	smul.u32 $0x1800, s29  }
0x18: {  	[tilespmem:s15+$0x1830 ss:$0x81] =	vst.msk $0xffff, v59  }
0x19: {  	[tilespmem:s15+$0x2040 ss:$0x81] =	vst.msk $0xffff, v60;
	s12 =	ssub.s32 s12, s17;
	s13 =	ssub.s32 s13, s30  }
0x1a: {  	[tilespmem:s15+$0x2850 ss:$0x81] =	vst.msk $0xffff, v61;
	s31 =	sshrl.u32 s12, $0x3;
	s12 =	sand.u32 $0x7, s12;
	s13 =	smul.u32 $0x300, s13  }
0x1b: {  	[tilespmem:s15+$0x3060 ss:$0x81] =	vst.msk $0xffff, v62;
	s16 =	sadd.s32 s6, s31;
	s12 =	sshll.u32 s12, $0x12  }
0x1c: {  	[tilespmem:s15+$0x0 ss:$0x81] =	vst.msk $0xffff, v63;
	s12 =	sor.u32 $0x400, s12;
	s13 =	sadd.s32 s13, s16  }
0x1d: {  	[hbm4b:s13+s12] =	stream.strided.scatter [tilespmem:s14], [sflag:$0x2], $0x4000, s8, s12, $0x20;
	[tilespmem:$0x10100] =	vst v63  }
.LBB1_5:
0x1e: {  	s14 =	sadd.s32 $0x80, s9  }
0x1f: {  	s12 =	sadd.s32 $0x1000, s10;
	s16 =	smov.u32 s10;
	p2 =	sgt.s32 s14, $0x17FF  }
0x20: {  	s16 =	smov.u32 @p2 s12  }
0x21: {  	s14 =	simm.s32 @p2 $0x0;
	p2 =	sgt.s32 s16, $0x17FF  }
0x22: {  	s16 =	smov.u32 @p2 s2;
	p2 =	sne.s32 s11, s7  }
.Ltmp1:
0x23: {  	p1 =	slt.u32 s11, $0x2;
	(pc) =	sbr.rel @!p2 .LBB1_6-.Ltmp1, $4  }
0x24: {  	s15 =	simm.s32 @!p1 $0x2  }
0x25: {  	s13 =	smov.u32 s10;
	p0 =	por !p0, !p0;
	_ =	swait.ge @!p1 [sflag:s15], $0x4000  }
0x26: {  	s12 =	smov.u32 s9;
	[sflag:s15] =	ssyncset.done @!p1 $0x0;
	s9 =	smov.u32 s14  }
0x27: {  	s11 =	sadd.s32 $0x1, s11;
	[sflag:s15] =	ssyncadd.s32 @!p1 $0xFFFFC000;
	s10 =	smov.u32 s16  }
.LBB1_1:
0x28: {  	p1 =	sge.u32 s11, s5  }
0x29: {  	s14 =	sshrl.u32 @!p1 s10, $0x3  }
0x2a: {  	s15 =	sshll.u32 @!p1 s9, $0x3;
	s16 =	sshll.u32 @!p1 s10, $0x7;
	s14 =	smul.u32 @!p1 $0xC000, s14  }
0x2b: {  	s17 =	sand.u32 @!p1 $0x7F, s9;
	s15 =	sand.u32 @!p1 $0xFFFFFC00, s15;
	s16 =	sand.u32 @!p1 $0x380, s16  }
0x2c: {  	s14 =	sadd.s32 @!p1 s14, s15;
	s15 =	sor.u32 @!p1 s17, s16  }
0x2d: {  	s15 =	sor.u32 @!p1 s14, s15;
	s14 =	smulhi.u32 @!p1 $0xAAAAAAAB, s14  }
0x2e: {  	s16 =	smulhi.u32 @!p1 $0xAAAAAAAB, s15  }
0x2f: {  	s14 =	sshrl.u32 @!p1 s14, $0xC  }
0x30: {  	s16 =	sshrl.u32 @!p1 s16, $0xC;
	s17 =	smulhi.u32 @!p1 $0xAAAAB, s14  }
0x31: {  	s16 =	smul.u32 @!p1 $0x1800, s16  }
0x32: {  	s17 =	smul.u32 @!p1 $0x1800, s17  }
0x33: {  	s31 =	sadd.s32 $0xFFFFFFFF, s11;
	s18 =	sxor.u32 @!p1 $0xFFFFFFFF, s11  }
0x34: {  	s15 =	ssub.s32 @!p1 s15, s16;
	s16 =	sshll.u32 @!p1 s18, $0xE;
	s14 =	ssub.s32 @!p1 s14, s17  }
0x35: {  	s17 =	sshrl.u32 @!p1 s15, $0x3;
	s15 =	sand.u32 @!p1 $0x7, s15;
	s14 =	smul.u32 @!p1 $0x300, s14  }
0x36: {  	s16 =	sand.u32 @!p1 $0x4000, s16;
	s17 =	sadd.s32 @!p1 s3, s17;
	s15 =	sshll.u32 @!p1 s15, $0x12  }
0x37: {  	s15 =	sor.u32 @!p1 $0x400, s15;
	s14 =	sadd.s32 @!p1 s14, s17;
	s17 =	simm.s32 @!p1 $0xC000  }
0x38: {  	[tilespmem:s16], [sflag:$0x1] =	stream.strided.gather @!p1 [hbm4b:s14+s15], $0x4000, s17, s15, $0x38;
	[tilespmem:$0x10100] =	vst v63  }
0x39: {  	p1 =	sge.u32 s31, s5  }
.Ltmp2:
0x3a: {  	_ = 	snop;
	(pc) =	sbr.rel @p1 .LBB1_5-.Ltmp2, $1  }
0x3b: {  	_ =	sdelay $0x3  }
0x3c: {  	s14 =	simm.s32 $0x1  }
0x3d: {  	_ =	swait.ge [sflag:s4], $0x4000;
	s14 =	simm.s32 @!p0 $0x0  }
0x3e: {  	[sflag:s4] =	ssyncset.done $0x0;
	s15 =	sshll.u32 s14, $0xE  }
0x3f: {  	[sflag:s4] =	ssyncadd.s32 $0xFFFFC000;
	s16 =	sor.u32 $0x40, s15  }
0x40: {  	s14 =	smul.u32 $0x10200, s14;
	v0 =	vld [tilespmem:s16+$0x30]  }
0x41: {  	v1 =	vld [tilespmem:s16+$0xFFFFFFD0]  }
0x42: {  	s14 =	sshrl.u32 s14, $0x2;
	v5 =	vld [tilespmem:s16+$0xFFFFFFE0]  }
0x43: {  	v6 =	vld [tilespmem:s16+$0xFFFFFFF0];
	s15 =	sor.u32 $0x8000, s14  }
0x44: {  	s31 =	sand.u32 $0x1, s11;
	v3 =	vld [tilespmem:s16+$0x0];
	s17 =	sadd.s32 $0x0, s15  }
0x45: {  	v4 =	vld [tilespmem:s16+$0x10];
	s14 =	smul.u32 $0x10200, s31;
	[tilespmem:s17+$0x3870 ss:$0x81] =	vst.msk $0xffff, v0  }
0x46: {  	v2 =	vld [tilespmem:s16+$0x20];
	[tilespmem:s17+$0x810 ss:$0x81] =	vst.msk $0xffff, v1  }
0x47: {  	s14 =	sshrl.u32 s14, $0x2;
	v0 =	vld [tilespmem:s16+$0xFFFFFFC0];
	[tilespmem:s17+$0x1020 ss:$0x81] =	vst.msk $0xffff, v5;
	s16 =	sadd.s32 $0x80, s16  }
0x48: {  	s18 =	simm.s32 $0x4;
	s19 =	simm.s32 $0x8;
	s14 =	sor.u32 $0x8000, s14;
	[tilespmem:s17+$0x1830 ss:$0x81] =	vst.msk $0xffff, v6;
	v1 =	vld [tilespmem:s16+$0x30]  }
.LBB1_3:
0x49: {  	p1 =	sne.s32 s19, $0x1FC;
	v5 =	vld [tilespmem:s16+$0xFFFFFFD0];
	[tilespmem:s17+$0x2040 ss:$0x81] =	vst.msk $0xffff, v3  }
0x4a: {  	v6 =	vld [tilespmem:s16+$0xFFFFFFE0];
	[tilespmem:s17+$0x2850 ss:$0x81] =	vst.msk $0xffff, v4  }
0x4b: {  	s20 =	sshra.s32 s18, $0x2;
	s18 =	smov.u32 s19;
	v7 =	vld [tilespmem:s16+$0xFFFFFFF0];
	[tilespmem:s17+$0x3060 ss:$0x81] =	vst.msk $0xffff, v2  }
.Ltmp3:
0x4c: {  	v3 =	vld [tilespmem:s16+$0x0];
	[tilespmem:s17+$0x0 ss:$0x81] =	vst.msk $0xffff, v0;
	s17 =	sadd.s32 s20, s15;
	(pc) =	sbr.rel @p1 .LBB1_3-.Ltmp3, $4  }
0x4d: {  	v4 =	vld [tilespmem:s16+$0x10];
	[tilespmem:s17+$0x3870 ss:$0x81] =	vst.msk $0xffff, v1  }
0x4e: {  	[tilespmem:s17+$0x810 ss:$0x81] =	vst.msk $0xffff, v5;
	v2 =	vld [tilespmem:s16+$0x20]  }
0x4f: {  	v0 =	vld [tilespmem:s16+$0xFFFFFFC0];
	[tilespmem:s17+$0x1020 ss:$0x81] =	vst.msk $0xffff, v6;
	s16 =	sadd.s32 $0x80, s16  }
0x50: {  	s19 =	sadd.s32 $0x4, s19;
	v1 =	vld [tilespmem:s16+$0x30];
	[tilespmem:s17+$0x1830 ss:$0x81] =	vst.msk $0xffff, v7  }
.Ltmp4:
0x51: {  	_ = 	snop;
	(pc) =	sbr.rel .LBB1_4-.Ltmp4, $1  }
0x52: {  	_ =	sdelay $0x3  }
.LBB1_6:
0x53: {  	_ =	sfence.sel $0x180000  }
0x54: {  	s2 =	simm.s32 $0x1;
	[bflag:$0x0] =	sbarrier.arrive $0xFFFF  }
0x55: {  	s31 =	simm.s32 $0x2;
	[sflag:s2] =	ssyncpa.u1 $0x1  }
0x56: {  	[sflag:s31] =	ssyncpa.u1 $0x1  }
0x57: {  	p0 =	sne.s32 s0, $0x0;
	_ =	strace $0x90000050  }
0x58: {  	s0 =	sadd.s32 @!p0 $0x100000, s1;
	[bflag:$0x2] =	sbarrier.arrive $0xFFFF  }
0x59: {  	[sflag:s0] =	ssyncadd.tile.s32 @!p0 $0x1;
	_ =	shalt  }
.Lfunc_end1:
_tile_overlayer_lowered:
.L_overlay_start_2:
0x5a: {  	(tag) =	ssettag $0x2  }
0x5b: {  	s0 =	rddreg [dreg:$0x0];
	s2 =	stileid.u32  }
0x5c: {  	s1 =	rddreg [dreg:$0x1];
	p0 =	sne.s32 s2, $0x0  }
0x5d: {  	s3 =	rddreg [dreg:$0x2];
	[bflag:$0x3] =	sbarrier.arrive $0xFFFF;
	s2 =	simm.s32 @!p0 $0x1C01  }
0x5e: {  	[timem:s3], [sflag:s2] =	dma.local @!p0 [hbm:s0], s1  }
0x5f: {  	s0 =	simm.s32 @!p0 $0x1  }
0x60: {  	_ =	swait.ge @!p0 [sflag:s0], s1  }
0x61: {  	s1 =	ssub.s32 @!p0 $0x0, s1;
	[sflag:s0] =	ssyncset.done @!p0 $0x0  }
0x62: {  	[sflag:s0] =	ssyncadd.s32 @!p0 s1  }
0x63: {  	[bflag:$0x3] =	sbarrier.arrive $0xFFFF  }
0x64: {  	_ =	shalt  }

</sc_bundles>
